<compile_context>
chip_gen: v7x
topology: tpu7x:2x2x1
jax: 0.10.2.dev20260603
libtpu: 0.0.44.dev20260713+nightly
codegen_flags: <defaults>
</compile_context>

<pallas_src>
import functools

import jax
import jax.numpy as jnp
from jax import lax
from jax.experimental import pallas as pl
from jax.experimental.pallas import tpu as pltpu
from jax.experimental.pallas import tpu_sc as plsc

B = 16384
D = 1024
NW = 32
ROWS_PER_W = B // NW
RBLK = 16
NBLK = ROWS_PER_W // RBLK


def _sc_permute_x(x, perm):
    mesh = plsc.VectorSubcoreMesh(core_axis_name="c", subcore_axis_name="s")

    @functools.partial(
        pl.kernel,
        mesh=mesh,
        compiler_params=pltpu.CompilerParams(needs_layout_passes=False),
        out_type=jax.ShapeDtypeStruct((B, D), jnp.float32),
        scratch_types=[
            pltpu.VMEM((D,), jnp.int32),
            pltpu.VMEM((RBLK, D), jnp.float32),
            pltpu.VMEM((RBLK, D), jnp.float32),
            pltpu.VMEM((RBLK, D), jnp.float32),
            pltpu.VMEM((RBLK, D), jnp.float32),
            pltpu.SemaphoreType.DMA,
            pltpu.SemaphoreType.DMA,
            pltpu.SemaphoreType.DMA,
            pltpu.SemaphoreType.DMA,
        ],
    )
    def k(x_hbm, perm_hbm, xo_hbm,
          perm_v, xin0, xin1, xout0, xout1, si0, si1, so0, so1):
        wid = lax.axis_index("s") * 2 + lax.axis_index("c")
        base = wid * ROWS_PER_W

        xin = (xin0, xin1)
        xout = (xout0, xout1)
        si = (si0, si1)
        so = (so0, so1)
        rsp = [jnp.full((16,), r, jnp.int32) for r in range(RBLK)]

        def start_in(bi, p):
            pltpu.make_async_copy(
                x_hbm.at[pl.ds(base + bi * RBLK, RBLK)], xin[p], si[p]
            ).start()

        def wait_in(p):
            pltpu.make_async_copy(
                x_hbm.at[pl.ds(base, RBLK)], xin[p], si[p]
            ).wait()

        def start_out(bi, p):
            pltpu.make_async_copy(
                xout[p], xo_hbm.at[pl.ds(base + bi * RBLK, RBLK)], so[p]
            ).start()

        def wait_out(p):
            pltpu.make_async_copy(
                xout[p], xo_hbm.at[pl.ds(base, RBLK)], so[p]
            ).wait()

        def compute(p):
            xin_p = xin[p]
            xout_p = xout[p]
            H = RBLK // 2

            def gather_half(colv, g0):
                return tuple(
                    plsc.load_gather(xin_p, [rsp[g0 + u], colv])
                    for u in range(H)
                )

            def store_half(vals, obase, g0):
                for u in range(H):
                    xout_p[g0 + u, pl.ds(obase, 16)] = vals[u]

            colv0 = perm_v[pl.ds(0, 16)]
            lo0 = gather_half(colv0, 0)
            store_half(lo0, 0, 0)
            hi0 = gather_half(colv0, H)

            def x_outer(j, carry):
                obase = j * 16
                colv = perm_v[pl.ds(obase, 16)]
                lo = gather_half(colv, 0)
                store_half(carry, obase - 16, H)
                hi = gather_half(colv, H)
                store_half(lo, obase, 0)
                return hi

            last = lax.fori_loop(1, D // 16, x_outer, hi0, unroll=False)
            store_half(last, D - 16, H)

        start_in(0, 0)
        start_in(1, 1)
        pltpu.sync_copy(perm_hbm, perm_v)

        def body(hi, _):
            for p in (0, 1):
                bi = hi * 2 + p

                wait_in(p)

                @pl.when(bi >= 2)
                def _():
                    wait_out(p)

                compute(p)

                @pl.when(bi + 2 < NBLK)
                def _():
                    start_in(bi + 2, p)

                start_out(bi, p)
            return 0

        lax.fori_loop(0, NBLK // 2, body, 0, unroll=False)
        wait_out(0)
        wait_out(1)

    return k(x, perm)


def _tc_build_p(perm):
    def build(perm_ref, p_ref):
        col = lax.broadcasted_iota(jnp.int32, (D, D), 0)
        pj = perm_ref[...]
        p_ref[...] = (pj[None, :] == col).astype(jnp.int8)

    return pl.pallas_call(
        build,
        out_shape=jax.ShapeDtypeStruct((D, D), jnp.int8),
    )(perm)


def _tc_permute_mask(mask_i8, p_mat):
    rb = 2048

    def mm(m_ref, p_ref, o_ref):
        acc = jnp.dot(m_ref[...], p_ref[...],
                      preferred_element_type=jnp.int32)
        o_ref[...] = acc.astype(jnp.int8)

    return pl.pallas_call(
        mm,
        grid=(B // rb,),
        in_specs=[
            pl.BlockSpec((rb, D), lambda i: (i, 0)),
            pl.BlockSpec((D, D), lambda i: (0, 0)),
        ],
        out_specs=pl.BlockSpec((rb, D), lambda i: (i, 0)),
        out_shape=jax.ShapeDtypeStruct((B, D), jnp.int8),
    )(mask_i8, p_mat)


def kernel(x, observed_mask, perm, inv_perm):
    del inv_perm
    xo = _sc_permute_x(x, perm)
    p_mat = _tc_build_p(perm)
    mo_i8 = _tc_permute_mask(observed_mask.astype(jnp.int8), p_mat)
    return (xo, mo_i8 != 0)

# --- scband reference (transcript-rebuilt; emitter-appended) ---
"""Pipeline reference for scband-random-permutation-13288628813995 (READ-ONLY COPY).

The authoritative reference and input builder live on the scoring server;
editing this copy changes nothing except your own understanding.
"""

import jax, jax.numpy as jnp
import numpy as np

DIM = 1024
SEED = 42
BATCH = 16384

def _make_perm():
    rng = np.random.default_rng(SEED)
    perm = rng.permutation(DIM)
    inv_perm = np.empty_like(perm)
    inv_perm[perm] = np.arange(DIM)
    return jnp.asarray(perm, dtype=jnp.int32), jnp.asarray(inv_perm, dtype=jnp.int32)

def setup_inputs(seed: int = 0) -> dict:
    key = jax.random.key(seed)
    k1, k2 = jax.random.split(key)
    x = jax.random.normal(k1, (BATCH, DIM), dtype=jnp.float32)
    observed_mask = jax.random.randint(k2, (BATCH, DIM), 0, 2).astype(jnp.bool_)
    perm, inv_perm = _make_perm()
    return {"x": x, "observed_mask": observed_mask, "perm": perm, "inv_perm": inv_perm}

def reference(x, observed_mask, perm, inv_perm):
    # forward with reverse=False: index_select along axis 1 with perm
    x_out = jnp.take(x, perm, axis=1)
    mask_out = jnp.take(observed_mask, perm, axis=1)
    return (x_out, mask_out)

if __name__ == "__main__":
    import jax
    _d = setup_inputs()
    print(jax.jit(kernel)(*tuple(_d.values())))

</pallas_src>

<mosaic_0001>
#map = affine_map<(d0, d1) -> (0, 0)>
#map1 = affine_map<(d0, d1) -> (0)>
module attributes {stable_mosaic.version = 14 : i64} {
  func.func @k(%arg0: i32, %arg1: i32, %arg2: memref<16384x1024xf32, #tpu.memory_space<hbm>>, %arg3: memref<1024xi32, #tpu.memory_space<hbm>>, %arg4: memref<16384x1024xf32, #tpu.memory_space<hbm>>, %arg5: memref<1024xi32, #tpu.memory_space<vmem>>, %arg6: memref<16x1024xf32, #tpu.memory_space<vmem>>, %arg7: memref<16x1024xf32, #tpu.memory_space<vmem>>, %arg8: memref<16x1024xf32, #tpu.memory_space<vmem>>, %arg9: memref<16x1024xf32, #tpu.memory_space<vmem>>, %arg10: memref<!tpu.dma_semaphore, #tpu.memory_space<semaphore_mem>>, %arg11: memref<!tpu.dma_semaphore, #tpu.memory_space<semaphore_mem>>, %arg12: memref<!tpu.dma_semaphore, #tpu.memory_space<semaphore_mem>>, %arg13: memref<!tpu.dma_semaphore, #tpu.memory_space<semaphore_mem>>) attributes {dimension_semantics = [#tpu.dimension_semantics<core_parallel>, #tpu.dimension_semantics<subcore_parallel>], iteration_bounds = array<i64: 2, 16>, scalar_prefetch = 0 : i64, scratch_operands = 9 : i64, tpu.core_type = #tpu.core_type<sc_vector_subcore>, window_params = [{transform_indices = #map}, {transform_indices = #map1}, {transform_indices = #map}]} {
    %mul3A = arith.constant 2 : i32
    %mul3A_0 = arith.muli %arg1, %mul3A : i32
    %add3A = arith.addi %mul3A_0, %arg0 : i32
    %mul3A_1 = arith.constant 512 : i32
    %mul3A_2 = arith.muli %add3A, %mul3A_1 : i32
    %broadcast_in_dim3A = arith.constant 0 : i32
    %broadcast_in_dim3A_3 = vector.broadcast %broadcast_in_dim3A : i32 to vector<16xi32>
    %broadcast_in_dim3A_4 = arith.constant 1 : i32
    %broadcast_in_dim3A_5 = vector.broadcast %broadcast_in_dim3A_4 : i32 to vector<16xi32>
    %broadcast_in_dim3A_6 = arith.constant 2 : i32
    %broadcast_in_dim3A_7 = vector.broadcast %broadcast_in_dim3A_6 : i32 to vector<16xi32>
    %broadcast_in_dim3A_8 = arith.constant 3 : i32
    %broadcast_in_dim3A_9 = vector.broadcast %broadcast_in_dim3A_8 : i32 to vector<16xi32>
    %broadcast_in_dim3A_10 = arith.constant 4 : i32
    %broadcast_in_dim3A_11 = vector.broadcast %broadcast_in_dim3A_10 : i32 to vector<16xi32>
    %broadcast_in_dim3A_12 = arith.constant 5 : i32
    %broadcast_in_dim3A_13 = vector.broadcast %broadcast_in_dim3A_12 : i32 to vector<16xi32>
    %broadcast_in_dim3A_14 = arith.constant 6 : i32
    %broadcast_in_dim3A_15 = vector.broadcast %broadcast_in_dim3A_14 : i32 to vector<16xi32>
    %broadcast_in_dim3A_16 = arith.constant 7 : i32
    %broadcast_in_dim3A_17 = vector.broadcast %broadcast_in_dim3A_16 : i32 to vector<16xi32>
    %broadcast_in_dim3A_18 = arith.constant 8 : i32
    %broadcast_in_dim3A_19 = vector.broadcast %broadcast_in_dim3A_18 : i32 to vector<16xi32>
    %broadcast_in_dim3A_20 = arith.constant 9 : i32
    %broadcast_in_dim3A_21 = vector.broadcast %broadcast_in_dim3A_20 : i32 to vector<16xi32>
    %broadcast_in_dim3A_22 = arith.constant 10 : i32
    %broadcast_in_dim3A_23 = vector.broadcast %broadcast_in_dim3A_22 : i32 to vector<16xi32>
    %broadcast_in_dim3A_24 = arith.constant 11 : i32
    %broadcast_in_dim3A_25 = vector.broadcast %broadcast_in_dim3A_24 : i32 to vector<16xi32>
    %broadcast_in_dim3A_26 = arith.constant 12 : i32
    %broadcast_in_dim3A_27 = vector.broadcast %broadcast_in_dim3A_26 : i32 to vector<16xi32>
    %broadcast_in_dim3A_28 = arith.constant 13 : i32
    %broadcast_in_dim3A_29 = vector.broadcast %broadcast_in_dim3A_28 : i32 to vector<16xi32>
    %broadcast_in_dim3A_30 = arith.constant 14 : i32
    %broadcast_in_dim3A_31 = vector.broadcast %broadcast_in_dim3A_30 : i32 to vector<16xi32>
    %broadcast_in_dim3A_32 = arith.constant 15 : i32
    %broadcast_in_dim3A_33 = vector.broadcast %broadcast_in_dim3A_32 : i32 to vector<16xi32>
    %add3A_34 = arith.constant 0 : i32
    %add3A_35 = arith.addi %mul3A_2, %add3A_34 : i32
    %dma_start3A = arith.constant 0 : i32
    %dma_start3A_36 = tpu.memref_slice %arg2[%add3A_35, %dma_start3A] : memref<16384x1024xf32, #tpu.memory_space<hbm>> -> memref<16x1024xf32, #tpu.memory_space<hbm>>
    %dma_start3A_37 = arith.constant 0 : i32
    %dma_start3A_38 = tpu.memref_slice %arg2[%add3A_35, %dma_start3A_37] : memref<16384x1024xf32, #tpu.memory_space<hbm>> -> memref<16x1024xf32, #tpu.memory_space<hbm>>
    tpu.enqueue_dma source(%dma_start3A_38 : memref<16x1024xf32, #tpu.memory_space<hbm>>) target(%arg6 : memref<16x1024xf32, #tpu.memory_space<vmem>>) target_semaphore(%arg10 : memref<!tpu.dma_semaphore, #tpu.memory_space<semaphore_mem>>)
    %add3A_39 = arith.constant 16 : i32
    %add3A_40 = arith.addi %mul3A_2, %add3A_39 : i32
    %dma_start3A_41 = arith.constant 0 : i32
    %dma_start3A_42 = tpu.memref_slice %arg2[%add3A_40, %dma_start3A_41] : memref<16384x1024xf32, #tpu.memory_space<hbm>> -> memref<16x1024xf32, #tpu.memory_space<hbm>>
    %dma_start3A_43 = arith.constant 0 : i32
    %dma_start3A_44 = tpu.memref_slice %arg2[%add3A_40, %dma_start3A_43] : memref<16384x1024xf32, #tpu.memory_space<hbm>> -> memref<16x1024xf32, #tpu.memory_space<hbm>>
    tpu.enqueue_dma source(%dma_start3A_44 : memref<16x1024xf32, #tpu.memory_space<hbm>>) target(%arg7 : memref<16x1024xf32, #tpu.memory_space<vmem>>) target_semaphore(%arg11 : memref<!tpu.dma_semaphore, #tpu.memory_space<semaphore_mem>>)
    "tpu.region"() ({
      %run_scoped3A = tpu.sem_alloc : memref<!tpu.dma_semaphore, #tpu.memory_space<semaphore_mem>>
      tpu.enqueue_dma source(%arg3 : memref<1024xi32, #tpu.memory_space<hbm>>) target(%arg5 : memref<1024xi32, #tpu.memory_space<vmem>>) target_semaphore(%run_scoped3A : memref<!tpu.dma_semaphore, #tpu.memory_space<semaphore_mem>>)
      tpu.wait_dma2 semaphore(%run_scoped3A : memref<!tpu.dma_semaphore, #tpu.memory_space<semaphore_mem>>) src(%arg3 : memref<1024xi32, #tpu.memory_space<hbm>>) dst(%arg5 : memref<1024xi32, #tpu.memory_space<vmem>>)
      tpu.yield
    }) : () -> ()
    %scan3A = arith.constant 0 : i32
    %scan3A_45 = arith.constant 0 : i32
    %scan3A_46 = arith.constant 16 : i32
    %scan3A_47 = arith.addi %scan3A_45, %scan3A_46 : i32
    %scan3A_48 = arith.constant 1 : i32
    %scan3A_49 = scf.for %scan3A_58 = %scan3A_45 to %scan3A_47 step %scan3A_48 iter_args(%scan3A_59 = %scan3A) -> (i32)  : i32 {
      %mul3A_60 = arith.constant 2 : i32
      %mul3A_61 = arith.muli %scan3A_58, %mul3A_60 : i32
      %add3A_62 = arith.constant 0 : i32
      %add3A_63 = arith.addi %mul3A_61, %add3A_62 : i32
      %dma_wait3A_64 = arith.constant 0 : i32
      %dma_wait3A_65 = tpu.memref_slice %arg2[%mul3A_2, %dma_wait3A_64] : memref<16384x1024xf32, #tpu.memory_space<hbm>> -> memref<16x1024xf32, #tpu.memory_space<hbm>>
      %dma_wait3A_66 = arith.constant 0 : i32
      %dma_wait3A_67 = tpu.memref_slice %arg2[%mul3A_2, %dma_wait3A_66] : memref<16384x1024xf32, #tpu.memory_space<hbm>> -> memref<16x1024xf32, #tpu.memory_space<hbm>>
      tpu.wait_dma2 semaphore(%arg10 : memref<!tpu.dma_semaphore, #tpu.memory_space<semaphore_mem>>) src(%dma_wait3A_67 : memref<16x1024xf32, #tpu.memory_space<hbm>>) dst(%arg6 : memref<16x1024xf32, #tpu.memory_space<vmem>>)
      %ge3A = arith.constant 2 : i32
      %ge3A_68 = arith.cmpi sge, %add3A_63, %ge3A : i32
      %convert_element_type3A = arith.extui %ge3A_68 : i1 to i32
      %cond3A = arith.constant 0 : i32
      %cond3A_69 = arith.cmpi ne, %convert_element_type3A, %cond3A : i32
      scf.if %cond3A_69 {
        %dma_wait3A_284 = arith.constant 0 : i32
        %dma_wait3A_285 = tpu.memref_slice %arg4[%mul3A_2, %dma_wait3A_284] : memref<16384x1024xf32, #tpu.memory_space<hbm>> -> memref<16x1024xf32, #tpu.memory_space<hbm>>
        %dma_wait3A_286 = arith.constant 0 : i32
        %dma_wait3A_287 = tpu.memref_slice %arg4[%mul3A_2, %dma_wait3A_286] : memref<16384x1024xf32, #tpu.memory_space<hbm>> -> memref<16x1024xf32, #tpu.memory_space<hbm>>
        tpu.wait_dma2 semaphore(%arg12 : memref<!tpu.dma_semaphore, #tpu.memory_space<semaphore_mem>>) src(%arg8 : memref<16x1024xf32, #tpu.memory_space<vmem>>) dst(%dma_wait3A_287 : memref<16x1024xf32, #tpu.memory_space<hbm>>)
      } else {
      }
      %get3A = arith.constant 0 : index
      %get3A_70 = tpu.vector_load %arg5[%get3A] {strides = array<i32>} : memref<1024xi32, #tpu.memory_space<vmem>>, vector<16xi32>,
      %gather3A = tpu.vector_load_idx %arg6[%broadcast_in_dim3A_3, %get3A_70] : memref<16x1024xf32, #tpu.memory_space<vmem>>[vector<16xi32>, vector<16xi32>], vector<16xf32>,
      %gather3A_71 = tpu.vector_load_idx %arg6[%broadcast_in_dim3A_5, %get3A_70] : memref<16x1024xf32, #tpu.memory_space<vmem>>[vector<16xi32>, vector<16xi32>], vector<16xf32>,
      %gather3A_72 = tpu.vector_load_idx %arg6[%broadcast_in_dim3A_7, %get3A_70] : memref<16x1024xf32, #tpu.memory_space<vmem>>[vector<16xi32>, vector<16xi32>], vector<16xf32>,
      %gather3A_73 = tpu.vector_load_idx %arg6[%broadcast_in_dim3A_9, %get3A_70] : memref<16x1024xf32, #tpu.memory_space<vmem>>[vector<16xi32>, vector<16xi32>], vector<16xf32>,
      %gather3A_74 = tpu.vector_load_idx %arg6[%broadcast_in_dim3A_11, %get3A_70] : memref<16x1024xf32, #tpu.memory_space<vmem>>[vector<16xi32>, vector<16xi32>], vector<16xf32>,
      %gather3A_75 = tpu.vector_load_idx %arg6[%broadcast_in_dim3A_13, %get3A_70] : memref<16x1024xf32, #tpu.memory_space<vmem>>[vector<16xi32>, vector<16xi32>], vector<16xf32>,
      %gather3A_76 = tpu.vector_load_idx %arg6[%broadcast_in_dim3A_15, %get3A_70] : memref<16x1024xf32, #tpu.memory_space<vmem>>[vector<16xi32>, vector<16xi32>], vector<16xf32>,
      %gather3A_77 = tpu.vector_load_idx %arg6[%broadcast_in_dim3A_17, %get3A_70] : memref<16x1024xf32, #tpu.memory_space<vmem>>[vector<16xi32>, vector<16xi32>], vector<16xf32>,
      %swap3A = arith.constant 0 : i32
      %swap3A_78 = arith.index_cast %swap3A : i32 to index
      %swap3A_79 = arith.constant 0 : index
      %swap3A_80 = tpu.vector_load %arg8[%swap3A_78, %swap3A_79] {strides = array<i32>} : memref<16x1024xf32, #tpu.memory_space<vmem>>, vector<16xf32>,
      tpu.vector_store %arg8[%swap3A_78, %swap3A_79], %gather3A {strides = array<i32>} : memref<16x1024xf32, #tpu.memory_space<vmem>>, vector<16xf32>,
      %swap3A_81 = arith.constant 1 : i32
      %swap3A_82 = arith.index_cast %swap3A_81 : i32 to index
      %swap3A_83 = arith.constant 0 : index
      %swap3A_84 = tpu.vector_load %arg8[%swap3A_82, %swap3A_83] {strides = array<i32>} : memref<16x1024xf32, #tpu.memory_space<vmem>>, vector<16xf32>,
      tpu.vector_store %arg8[%swap3A_82, %swap3A_83], %gather3A_71 {strides = array<i32>} : memref<16x1024xf32, #tpu.memory_space<vmem>>, vector<16xf32>,
      %swap3A_85 = arith.constant 2 : i32
      %swap3A_86 = arith.index_cast %swap3A_85 : i32 to index
      %swap3A_87 = arith.constant 0 : index
      %swap3A_88 = tpu.vector_load %arg8[%swap3A_86, %swap3A_87] {strides = array<i32>} : memref<16x1024xf32, #tpu.memory_space<vmem>>, vector<16xf32>,
      tpu.vector_store %arg8[%swap3A_86, %swap3A_87], %gather3A_72 {strides = array<i32>} : memref<16x1024xf32, #tpu.memory_space<vmem>>, vector<16xf32>,
      %swap3A_89 = arith.constant 3 : i32
      %swap3A_90 = arith.index_cast %swap3A_89 : i32 to index
      %swap3A_91 = arith.constant 0 : index
      %swap3A_92 = tpu.vector_load %arg8[%swap3A_90, %swap3A_91] {strides = array<i32>} : memref<16x1024xf32, #tpu.memory_space<vmem>>, vector<16xf32>,
      tpu.vector_store %arg8[%swap3A_90, %swap3A_91], %gather3A_73 {strides = array<i32>} : memref<16x1024xf32, #tpu.memory_space<vmem>>, vector<16xf32>,
      %swap3A_93 = arith.constant 4 : i32
      %swap3A_94 = arith.index_cast %swap3A_93 : i32 to index
      %swap3A_95 = arith.constant 0 : index
      %swap3A_96 = tpu.vector_load %arg8[%swap3A_94, %swap3A_95] {strides = array<i32>} : memref<16x1024xf32, #tpu.memory_space<vmem>>, vector<16xf32>,
      tpu.vector_store %arg8[%swap3A_94, %swap3A_95], %gather3A_74 {strides = array<i32>} : memref<16x1024xf32, #tpu.memory_space<vmem>>, vector<16xf32>,
      %swap3A_97 = arith.constant 5 : i32
      %swap3A_98 = arith.index_cast %swap3A_97 : i32 to index
      %swap3A_99 = arith.constant 0 : index
      %swap3A_100 = tpu.vector_load %arg8[%swap3A_98, %swap3A_99] {strides = array<i32>} : memref<16x1024xf32, #tpu.memory_space<vmem>>, vector<16xf32>,
      tpu.vector_store %arg8[%swap3A_98, %swap3A_99], %gather3A_75 {strides = array<i32>} : memref<16x1024xf32, #tpu.memory_space<vmem>>, vector<16xf32>,
      %swap3A_101 = arith.constant 6 : i32
      %swap3A_102 = arith.index_cast %swap3A_101 : i32 to index
      %swap3A_103 = arith.constant 0 : index
      %swap3A_104 = tpu.vector_load %arg8[%swap3A_102, %swap3A_103] {strides = array<i32>} : memref<16x1024xf32, #tpu.memory_space<vmem>>, vector<16xf32>,
      tpu.vector_store %arg8[%swap3A_102, %swap3A_103], %gather3A_76 {strides = array<i32>} : memref<16x1024xf32, #tpu.memory_space<vmem>>, vector<16xf32>,
      %swap3A_105 = arith.constant 7 : i32
      %swap3A_106 = arith.index_cast %swap3A_105 : i32 to index
      %swap3A_107 = arith.constant 0 : index
      %swap3A_108 = tpu.vector_load %arg8[%swap3A_106, %swap3A_107] {strides = array<i32>} : memref<16x1024xf32, #tpu.memory_space<vmem>>, vector<16xf32>,
      tpu.vector_store %arg8[%swap3A_106, %swap3A_107], %gather3A_77 {strides = array<i32>} : memref<16x1024xf32, #tpu.memory_space<vmem>>, vector<16xf32>,
      %gather3A_109 = tpu.vector_load_idx %arg6[%broadcast_in_dim3A_19, %get3A_70] : memref<16x1024xf32, #tpu.memory_space<vmem>>[vector<16xi32>, vector<16xi32>], vector<16xf32>,
      %gather3A_110 = tpu.vector_load_idx %arg6[%broadcast_in_dim3A_21, %get3A_70] : memref<16x1024xf32, #tpu.memory_space<vmem>>[vector<16xi32>, vector<16xi32>], vector<16xf32>,
      %gather3A_111 = tpu.vector_load_idx %arg6[%broadcast_in_dim3A_23, %get3A_70] : memref<16x1024xf32, #tpu.memory_space<vmem>>[vector<16xi32>, vector<16xi32>], vector<16xf32>,
      %gather3A_112 = tpu.vector_load_idx %arg6[%broadcast_in_dim3A_25, %get3A_70] : memref<16x1024xf32, #tpu.memory_space<vmem>>[vector<16xi32>, vector<16xi32>], vector<16xf32>,
      %gather3A_113 = tpu.vector_load_idx %arg6[%broadcast_in_dim3A_27, %get3A_70] : memref<16x1024xf32, #tpu.memory_space<vmem>>[vector<16xi32>, vector<16xi32>], vector<16xf32>,
      %gather3A_114 = tpu.vector_load_idx %arg6[%broadcast_in_dim3A_29, %get3A_70] : memref<16x1024xf32, #tpu.memory_space<vmem>>[vector<16xi32>, vector<16xi32>], vector<16xf32>,
      %gather3A_115 = tpu.vector_load_idx %arg6[%broadcast_in_dim3A_31, %get3A_70] : memref<16x1024xf32, #tpu.memory_space<vmem>>[vector<16xi32>, vector<16xi32>], vector<16xf32>,
      %gather3A_116 = tpu.vector_load_idx %arg6[%broadcast_in_dim3A_33, %get3A_70] : memref<16x1024xf32, #tpu.memory_space<vmem>>[vector<16xi32>, vector<16xi32>], vector<16xf32>,
      %scan3A_117 = arith.constant 1 : i32
      %scan3A_118 = arith.constant 63 : i32
      %scan3A_119 = arith.addi %scan3A_117, %scan3A_118 : i32
      %scan3A_120 = arith.constant 1 : i32
      %scan3A_121:8 = scf.for %scan3A_284 = %scan3A_117 to %scan3A_119 step %scan3A_120 iter_args(%scan3A_285 = %gather3A_109, %scan3A_286 = %gather3A_110, %scan3A_287 = %gather3A_111, %scan3A_288 = %gather3A_112, %scan3A_289 = %gather3A_113, %scan3A_290 = %gather3A_114, %scan3A_291 = %gather3A_115, %scan3A_292 = %gather3A_116) -> (vector<16xf32>, vector<16xf32>, vector<16xf32>, vector<16xf32>, vector<16xf32>, vector<16xf32>, vector<16xf32>, vector<16xf32>)  : i32 {
        %mul3A_293 = arith.constant 16 : i32
        %mul3A_294 = arith.muli %scan3A_284, %mul3A_293 : i32
        %get3A_295 = arith.index_cast %mul3A_294 : i32 to index
        %get3A_296 = tpu.vector_load %arg5[%get3A_295] {strides = array<i32>} : memref<1024xi32, #tpu.memory_space<vmem>>, vector<16xi32>,
        %gather3A_297 = tpu.vector_load_idx %arg6[%broadcast_in_dim3A_3, %get3A_296] : memref<16x1024xf32, #tpu.memory_space<vmem>>[vector<16xi32>, vector<16xi32>], vector<16xf32>,
        %gather3A_298 = tpu.vector_load_idx %arg6[%broadcast_in_dim3A_5, %get3A_296] : memref<16x1024xf32, #tpu.memory_space<vmem>>[vector<16xi32>, vector<16xi32>], vector<16xf32>,
        %gather3A_299 = tpu.vector_load_idx %arg6[%broadcast_in_dim3A_7, %get3A_296] : memref<16x1024xf32, #tpu.memory_space<vmem>>[vector<16xi32>, vector<16xi32>], vector<16xf32>,
        %gather3A_300 = tpu.vector_load_idx %arg6[%broadcast_in_dim3A_9, %get3A_296] : memref<16x1024xf32, #tpu.memory_space<vmem>>[vector<16xi32>, vector<16xi32>], vector<16xf32>,
        %gather3A_301 = tpu.vector_load_idx %arg6[%broadcast_in_dim3A_11, %get3A_296] : memref<16x1024xf32, #tpu.memory_space<vmem>>[vector<16xi32>, vector<16xi32>], vector<16xf32>,
        %gather3A_302 = tpu.vector_load_idx %arg6[%broadcast_in_dim3A_13, %get3A_296] : memref<16x1024xf32, #tpu.memory_space<vmem>>[vector<16xi32>, vector<16xi32>], vector<16xf32>,
        %gather3A_303 = tpu.vector_load_idx %arg6[%broadcast_in_dim3A_15, %get3A_296] : memref<16x1024xf32, #tpu.memory_space<vmem>>[vector<16xi32>, vector<16xi32>], vector<16xf32>,
        %gather3A_304 = tpu.vector_load_idx %arg6[%broadcast_in_dim3A_17, %get3A_296] : memref<16x1024xf32, #tpu.memory_space<vmem>>[vector<16xi32>, vector<16xi32>], vector<16xf32>,
        %sub3A = arith.constant 16 : i32
        %sub3A_305 = arith.subi %mul3A_294, %sub3A : i32
        %swap3A_306 = arith.constant 8 : i32
        %swap3A_307 = arith.index_cast %swap3A_306 : i32 to index
        %swap3A_308 = arith.index_cast %sub3A_305 : i32 to index
        %swap3A_309 = tpu.vector_load %arg8[%swap3A_307, %swap3A_308] {strides = array<i32>} : memref<16x1024xf32, #tpu.memory_space<vmem>>, vector<16xf32>,
        tpu.vector_store %arg8[%swap3A_307, %swap3A_308], %scan3A_285 {strides = array<i32>} : memref<16x1024xf32, #tpu.memory_space<vmem>>, vector<16xf32>,
        %swap3A_310 = arith.constant 9 : i32
        %swap3A_311 = arith.index_cast %swap3A_310 : i32 to index
        %swap3A_312 = arith.index_cast %sub3A_305 : i32 to index
        %swap3A_313 = tpu.vector_load %arg8[%swap3A_311, %swap3A_312] {strides = array<i32>} : memref<16x1024xf32, #tpu.memory_space<vmem>>, vector<16xf32>,
        tpu.vector_store %arg8[%swap3A_311, %swap3A_312], %scan3A_286 {strides = array<i32>} : memref<16x1024xf32, #tpu.memory_space<vmem>>, vector<16xf32>,
        %swap3A_314 = arith.constant 10 : i32
        %swap3A_315 = arith.index_cast %swap3A_314 : i32 to index
        %swap3A_316 = arith.index_cast %sub3A_305 : i32 to index
        %swap3A_317 = tpu.vector_load %arg8[%swap3A_315, %swap3A_316] {strides = array<i32>} : memref<16x1024xf32, #tpu.memory_space<vmem>>, vector<16xf32>,
        tpu.vector_store %arg8[%swap3A_315, %swap3A_316], %scan3A_287 {strides = array<i32>} : memref<16x1024xf32, #tpu.memory_space<vmem>>, vector<16xf32>,
        %swap3A_318 = arith.constant 11 : i32
        %swap3A_319 = arith.index_cast %swap3A_318 : i32 to index
        %swap3A_320 = arith.index_cast %sub3A_305 : i32 to index
        %swap3A_321 = tpu.vector_load %arg8[%swap3A_319, %swap3A_320] {strides = array<i32>} : memref<16x1024xf32, #tpu.memory_space<vmem>>, vector<16xf32>,
        tpu.vector_store %arg8[%swap3A_319, %swap3A_320], %scan3A_288 {strides = array<i32>} : memref<16x1024xf32, #tpu.memory_space<vmem>>, vector<16xf32>,
        %swap3A_322 = arith.constant 12 : i32
        %swap3A_323 = arith.index_cast %swap3A_322 : i32 to index
        %swap3A_324 = arith.index_cast %sub3A_305 : i32 to index
        %swap3A_325 = tpu.vector_load %arg8[%swap3A_323, %swap3A_324] {strides = array<i32>} : memref<16x1024xf32, #tpu.memory_space<vmem>>, vector<16xf32>,
        tpu.vector_store %arg8[%swap3A_323, %swap3A_324], %scan3A_289 {strides = array<i32>} : memref<16x1024xf32, #tpu.memory_space<vmem>>, vector<16xf32>,
        %swap3A_326 = arith.constant 13 : i32
        %swap3A_327 = arith.index_cast %swap3A_326 : i32 to index
        %swap3A_328 = arith.index_cast %sub3A_305 : i32 to index
        %swap3A_329 = tpu.vector_load %arg8[%swap3A_327, %swap3A_328] {strides = array<i32>} : memref<16x1024xf32, #tpu.memory_space<vmem>>, vector<16xf32>,
        tpu.vector_store %arg8[%swap3A_327, %swap3A_328], %scan3A_290 {strides = array<i32>} : memref<16x1024xf32, #tpu.memory_space<vmem>>, vector<16xf32>,
        %swap3A_330 = arith.constant 14 : i32
        %swap3A_331 = arith.index_cast %swap3A_330 : i32 to index
        %swap3A_332 = arith.index_cast %sub3A_305 : i32 to index
        %swap3A_333 = tpu.vector_load %arg8[%swap3A_331, %swap3A_332] {strides = array<i32>} : memref<16x1024xf32, #tpu.memory_space<vmem>>, vector<16xf32>,
        tpu.vector_store %arg8[%swap3A_331, %swap3A_332], %scan3A_291 {strides = array<i32>} : memref<16x1024xf32, #tpu.memory_space<vmem>>, vector<16xf32>,
        %swap3A_334 = arith.constant 15 : i32
        %swap3A_335 = arith.index_cast %swap3A_334 : i32 to index
        %swap3A_336 = arith.index_cast %sub3A_305 : i32 to index
        %swap3A_337 = tpu.vector_load %arg8[%swap3A_335, %swap3A_336] {strides = array<i32>} : memref<16x1024xf32, #tpu.memory_space<vmem>>, vector<16xf32>,
        tpu.vector_store %arg8[%swap3A_335, %swap3A_336], %scan3A_292 {strides = array<i32>} : memref<16x1024xf32, #tpu.memory_space<vmem>>, vector<16xf32>,
        %gather3A_338 = tpu.vector_load_idx %arg6[%broadcast_in_dim3A_19, %get3A_296] : memref<16x1024xf32, #tpu.memory_space<vmem>>[vector<16xi32>, vector<16xi32>], vector<16xf32>,
        %gather3A_339 = tpu.vector_load_idx %arg6[%broadcast_in_dim3A_21, %get3A_296] : memref<16x1024xf32, #tpu.memory_space<vmem>>[vector<16xi32>, vector<16xi32>], vector<16xf32>,
        %gather3A_340 = tpu.vector_load_idx %arg6[%broadcast_in_dim3A_23, %get3A_296] : memref<16x1024xf32, #tpu.memory_space<vmem>>[vector<16xi32>, vector<16xi32>], vector<16xf32>,
        %gather3A_341 = tpu.vector_load_idx %arg6[%broadcast_in_dim3A_25, %get3A_296] : memref<16x1024xf32, #tpu.memory_space<vmem>>[vector<16xi32>, vector<16xi32>], vector<16xf32>,
        %gather3A_342 = tpu.vector_load_idx %arg6[%broadcast_in_dim3A_27, %get3A_296] : memref<16x1024xf32, #tpu.memory_space<vmem>>[vector<16xi32>, vector<16xi32>], vector<16xf32>,
        %gather3A_343 = tpu.vector_load_idx %arg6[%broadcast_in_dim3A_29, %get3A_296] : memref<16x1024xf32, #tpu.memory_space<vmem>>[vector<16xi32>, vector<16xi32>], vector<16xf32>,
        %gather3A_344 = tpu.vector_load_idx %arg6[%broadcast_in_dim3A_31, %get3A_296] : memref<16x1024xf32, #tpu.memory_space<vmem>>[vector<16xi32>, vector<16xi32>], vector<16xf32>,
        %gather3A_345 = tpu.vector_load_idx %arg6[%broadcast_in_dim3A_33, %get3A_296] : memref<16x1024xf32, #tpu.memory_space<vmem>>[vector<16xi32>, vector<16xi32>], vector<16xf32>,
        %swap3A_346 = arith.constant 0 : i32
        %swap3A_347 = arith.index_cast %swap3A_346 : i32 to index
        %swap3A_348 = arith.index_cast %mul3A_294 : i32 to index
        %swap3A_349 = tpu.vector_load %arg8[%swap3A_347, %swap3A_348] {strides = array<i32>} : memref<16x1024xf32, #tpu.memory_space<vmem>>, vector<16xf32>,
        tpu.vector_store %arg8[%swap3A_347, %swap3A_348], %gather3A_297 {strides = array<i32>} : memref<16x1024xf32, #tpu.memory_space<vmem>>, vector<16xf32>,
        %swap3A_350 = arith.constant 1 : i32
        %swap3A_351 = arith.index_cast %swap3A_350 : i32 to index
        %swap3A_352 = arith.index_cast %mul3A_294 : i32 to index
        %swap3A_353 = tpu.vector_load %arg8[%swap3A_351, %swap3A_352] {strides = array<i32>} : memref<16x1024xf32, #tpu.memory_space<vmem>>, vector<16xf32>,
        tpu.vector_store %arg8[%swap3A_351, %swap3A_352], %gather3A_298 {strides = array<i32>} : memref<16x1024xf32, #tpu.memory_space<vmem>>, vector<16xf32>,
        %swap3A_354 = arith.constant 2 : i32
        %swap3A_355 = arith.index_cast %swap3A_354 : i32 to index
        %swap3A_356 = arith.index_cast %mul3A_294 : i32 to index
        %swap3A_357 = tpu.vector_load %arg8[%swap3A_355, %swap3A_356] {strides = array<i32>} : memref<16x1024xf32, #tpu.memory_space<vmem>>, vector<16xf32>,
        tpu.vector_store %arg8[%swap3A_355, %swap3A_356], %gather3A_299 {strides = array<i32>} : memref<16x1024xf32, #tpu.memory_space<vmem>>, vector<16xf32>,
        %swap3A_358 = arith.constant 3 : i32
        %swap3A_359 = arith.index_cast %swap3A_358 : i32 to index
        %swap3A_360 = arith.index_cast %mul3A_294 : i32 to index
        %swap3A_361 = tpu.vector_load %arg8[%swap3A_359, %swap3A_360] {strides = array<i32>} : memref<16x1024xf32, #tpu.memory_space<vmem>>, vector<16xf32>,
        tpu.vector_store %arg8[%swap3A_359, %swap3A_360], %gather3A_300 {strides = array<i32>} : memref<16x1024xf32, #tpu.memory_space<vmem>>, vector<16xf32>,
        %swap3A_362 = arith.constant 4 : i32
        %swap3A_363 = arith.index_cast %swap3A_362 : i32 to index
        %swap3A_364 = arith.index_cast %mul3A_294 : i32 to index
        %swap3A_365 = tpu.vector_load %arg8[%swap3A_363, %swap3A_364] {strides = array<i32>} : memref<16x1024xf32, #tpu.memory_space<vmem>>, vector<16xf32>,
        tpu.vector_store %arg8[%swap3A_363, %swap3A_364], %gather3A_301 {strides = array<i32>} : memref<16x1024xf32, #tpu.memory_space<vmem>>, vector<16xf32>,
        %swap3A_366 = arith.constant 5 : i32
        %swap3A_367 = arith.index_cast %swap3A_366 : i32 to index
        %swap3A_368 = arith.index_cast %mul3A_294 : i32 to index
        %swap3A_369 = tpu.vector_load %arg8[%swap3A_367, %swap3A_368] {strides = array<i32>} : memref<16x1024xf32, #tpu.memory_space<vmem>>, vector<16xf32>,
        tpu.vector_store %arg8[%swap3A_367, %swap3A_368], %gather3A_302 {strides = array<i32>} : memref<16x1024xf32, #tpu.memory_space<vmem>>, vector<16xf32>,
        %swap3A_370 = arith.constant 6 : i32
        %swap3A_371 = arith.index_cast %swap3A_370 : i32 to index
        %swap3A_372 = arith.index_cast %mul3A_294 : i32 to index
        %swap3A_373 = tpu.vector_load %arg8[%swap3A_371, %swap3A_372] {strides = array<i32>} : memref<16x1024xf32, #tpu.memory_space<vmem>>, vector<16xf32>,
        tpu.vector_store %arg8[%swap3A_371, %swap3A_372], %gather3A_303 {strides = array<i32>} : memref<16x1024xf32, #tpu.memory_space<vmem>>, vector<16xf32>,
        %swap3A_374 = arith.constant 7 : i32
        %swap3A_375 = arith.index_cast %swap3A_374 : i32 to index
        %swap3A_376 = arith.index_cast %mul3A_294 : i32 to index
        %swap3A_377 = tpu.vector_load %arg8[%swap3A_375, %swap3A_376] {strides = array<i32>} : memref<16x1024xf32, #tpu.memory_space<vmem>>, vector<16xf32>,
        tpu.vector_store %arg8[%swap3A_375, %swap3A_376], %gather3A_304 {strides = array<i32>} : memref<16x1024xf32, #tpu.memory_space<vmem>>, vector<16xf32>,
        scf.yield %gather3A_338, %gather3A_339, %gather3A_340, %gather3A_341, %gather3A_342, %gather3A_343, %gather3A_344, %gather3A_345 : vector<16xf32>, vector<16xf32>, vector<16xf32>, vector<16xf32>, vector<16xf32>, vector<16xf32>, vector<16xf32>, vector<16xf32>
      }
      %scan3A_122 = arith.constant 63 : i32
      %swap3A_123 = arith.constant 8 : i32
      %swap3A_124 = arith.index_cast %swap3A_123 : i32 to index
      %swap3A_125 = arith.constant 1008 : index
      %swap3A_126 = tpu.vector_load %arg8[%swap3A_124, %swap3A_125] {strides = array<i32>} : memref<16x1024xf32, #tpu.memory_space<vmem>>, vector<16xf32>,
      tpu.vector_store %arg8[%swap3A_124, %swap3A_125], %scan3A_121#0 {strides = array<i32>} : memref<16x1024xf32, #tpu.memory_space<vmem>>, vector<16xf32>,
      %swap3A_127 = arith.constant 9 : i32
      %swap3A_128 = arith.index_cast %swap3A_127 : i32 to index
      %swap3A_129 = arith.constant 1008 : index
      %swap3A_130 = tpu.vector_load %arg8[%swap3A_128, %swap3A_129] {strides = array<i32>} : memref<16x1024xf32, #tpu.memory_space<vmem>>, vector<16xf32>,
      tpu.vector_store %arg8[%swap3A_128, %swap3A_129], %scan3A_121#1 {strides = array<i32>} : memref<16x1024xf32, #tpu.memory_space<vmem>>, vector<16xf32>,
      %swap3A_131 = arith.constant 10 : i32
      %swap3A_132 = arith.index_cast %swap3A_131 : i32 to index
      %swap3A_133 = arith.constant 1008 : index
      %swap3A_134 = tpu.vector_load %arg8[%swap3A_132, %swap3A_133] {strides = array<i32>} : memref<16x1024xf32, #tpu.memory_space<vmem>>, vector<16xf32>,
      tpu.vector_store %arg8[%swap3A_132, %swap3A_133], %scan3A_121#2 {strides = array<i32>} : memref<16x1024xf32, #tpu.memory_space<vmem>>, vector<16xf32>,
      %swap3A_135 = arith.constant 11 : i32
      %swap3A_136 = arith.index_cast %swap3A_135 : i32 to index
      %swap3A_137 = arith.constant 1008 : index
      %swap3A_138 = tpu.vector_load %arg8[%swap3A_136, %swap3A_137] {strides = array<i32>} : memref<16x1024xf32, #tpu.memory_space<vmem>>, vector<16xf32>,
      tpu.vector_store %arg8[%swap3A_136, %swap3A_137], %scan3A_121#3 {strides = array<i32>} : memref<16x1024xf32, #tpu.memory_space<vmem>>, vector<16xf32>,
      %swap3A_139 = arith.constant 12 : i32
      %swap3A_140 = arith.index_cast %swap3A_139 : i32 to index
      %swap3A_141 = arith.constant 1008 : index
      %swap3A_142 = tpu.vector_load %arg8[%swap3A_140, %swap3A_141] {strides = array<i32>} : memref<16x1024xf32, #tpu.memory_space<vmem>>, vector<16xf32>,
      tpu.vector_store %arg8[%swap3A_140, %swap3A_141], %scan3A_121#4 {strides = array<i32>} : memref<16x1024xf32, #tpu.memory_space<vmem>>, vector<16xf32>,
      %swap3A_143 = arith.constant 13 : i32
      %swap3A_144 = arith.index_cast %swap3A_143 : i32 to index
      %swap3A_145 = arith.constant 1008 : index
      %swap3A_146 = tpu.vector_load %arg8[%swap3A_144, %swap3A_145] {strides = array<i32>} : memref<16x1024xf32, #tpu.memory_space<vmem>>, vector<16xf32>,
      tpu.vector_store %arg8[%swap3A_144, %swap3A_145], %scan3A_121#5 {strides = array<i32>} : memref<16x1024xf32, #tpu.memory_space<vmem>>, vector<16xf32>,
      %swap3A_147 = arith.constant 14 : i32
      %swap3A_148 = arith.index_cast %swap3A_147 : i32 to index
      %swap3A_149 = arith.constant 1008 : index
      %swap3A_150 = tpu.vector_load %arg8[%swap3A_148, %swap3A_149] {strides = array<i32>} : memref<16x1024xf32, #tpu.memory_space<vmem>>, vector<16xf32>,
      tpu.vector_store %arg8[%swap3A_148, %swap3A_149], %scan3A_121#6 {strides = array<i32>} : memref<16x1024xf32, #tpu.memory_space<vmem>>, vector<16xf32>,
      %swap3A_151 = arith.constant 15 : i32
      %swap3A_152 = arith.index_cast %swap3A_151 : i32 to index
      %swap3A_153 = arith.constant 1008 : index
      %swap3A_154 = tpu.vector_load %arg8[%swap3A_152, %swap3A_153] {strides = array<i32>} : memref<16x1024xf32, #tpu.memory_space<vmem>>, vector<16xf32>,
      tpu.vector_store %arg8[%swap3A_152, %swap3A_153], %scan3A_121#7 {strides = array<i32>} : memref<16x1024xf32, #tpu.memory_space<vmem>>, vector<16xf32>,
      %add3A_155 = arith.constant 2 : i32
      %add3A_156 = arith.addi %add3A_63, %add3A_155 : i32
      %lt3A = arith.constant 32 : i32
      %lt3A_157 = arith.cmpi slt, %add3A_156, %lt3A : i32
      %convert_element_type3A_158 = arith.extui %lt3A_157 : i1 to i32
      %cond3A_159 = arith.constant 0 : i32
      %cond3A_160 = arith.cmpi ne, %convert_element_type3A_158, %cond3A_159 : i32
      scf.if %cond3A_160 {
        %add3A_284 = arith.constant 2 : i32
        %add3A_285 = arith.addi %add3A_63, %add3A_284 : i32
        %mul3A_286 = arith.constant 16 : i32
        %mul3A_287 = arith.muli %add3A_285, %mul3A_286 : i32
        %add3A_288 = arith.addi %mul3A_2, %mul3A_287 : i32
        %dma_start3A_289 = arith.constant 0 : i32
        %dma_start3A_290 = tpu.memref_slice %arg2[%add3A_288, %dma_start3A_289] : memref<16384x1024xf32, #tpu.memory_space<hbm>> -> memref<16x1024xf32, #tpu.memory_space<hbm>>
        %dma_start3A_291 = arith.constant 0 : i32
        %dma_start3A_292 = tpu.memref_slice %arg2[%add3A_288, %dma_start3A_291] : memref<16384x1024xf32, #tpu.memory_space<hbm>> -> memref<16x1024xf32, #tpu.memory_space<hbm>>
        tpu.enqueue_dma source(%dma_start3A_292 : memref<16x1024xf32, #tpu.memory_space<hbm>>) target(%arg6 : memref<16x1024xf32, #tpu.memory_space<vmem>>) target_semaphore(%arg10 : memref<!tpu.dma_semaphore, #tpu.memory_space<semaphore_mem>>)
      } else {
      }
      %mul3A_161 = arith.constant 16 : i32
      %mul3A_162 = arith.muli %add3A_63, %mul3A_161 : i32
      %add3A_163 = arith.addi %mul3A_2, %mul3A_162 : i32
      %dma_start3A_164 = arith.constant 0 : i32
      %dma_start3A_165 = tpu.memref_slice %arg4[%add3A_163, %dma_start3A_164] : memref<16384x1024xf32, #tpu.memory_space<hbm>> -> memref<16x1024xf32, #tpu.memory_space<hbm>>
      %dma_start3A_166 = arith.constant 0 : i32
      %dma_start3A_167 = tpu.memref_slice %arg4[%add3A_163, %dma_start3A_166] : memref<16384x1024xf32, #tpu.memory_space<hbm>> -> memref<16x1024xf32, #tpu.memory_space<hbm>>
      tpu.enqueue_dma source(%arg8 : memref<16x1024xf32, #tpu.memory_space<vmem>>) target(%dma_start3A_167 : memref<16x1024xf32, #tpu.memory_space<hbm>>) target_semaphore(%arg12 : memref<!tpu.dma_semaphore, #tpu.memory_space<semaphore_mem>>)
      %mul3A_168 = arith.constant 2 : i32
      %mul3A_169 = arith.muli %scan3A_58, %mul3A_168 : i32
      %add3A_170 = arith.constant 1 : i32
      %add3A_171 = arith.addi %mul3A_169, %add3A_170 : i32
      %dma_wait3A_172 = arith.constant 0 : i32
      %dma_wait3A_173 = tpu.memref_slice %arg2[%mul3A_2, %dma_wait3A_172] : memref<16384x1024xf32, #tpu.memory_space<hbm>> -> memref<16x1024xf32, #tpu.memory_space<hbm>>
      %dma_wait3A_174 = arith.constant 0 : i32
      %dma_wait3A_175 = tpu.memref_slice %arg2[%mul3A_2, %dma_wait3A_174] : memref<16384x1024xf32, #tpu.memory_space<hbm>> -> memref<16x1024xf32, #tpu.memory_space<hbm>>
      tpu.wait_dma2 semaphore(%arg11 : memref<!tpu.dma_semaphore, #tpu.memory_space<semaphore_mem>>) src(%dma_wait3A_175 : memref<16x1024xf32, #tpu.memory_space<hbm>>) dst(%arg7 : memref<16x1024xf32, #tpu.memory_space<vmem>>)
      %ge3A_176 = arith.constant 2 : i32
      %ge3A_177 = arith.cmpi sge, %add3A_171, %ge3A_176 : i32
      %convert_element_type3A_178 = arith.extui %ge3A_177 : i1 to i32
      %cond3A_179 = arith.constant 0 : i32
      %cond3A_180 = arith.cmpi ne, %convert_element_type3A_178, %cond3A_179 : i32
      scf.if %cond3A_180 {
        %dma_wait3A_284 = arith.constant 0 : i32
        %dma_wait3A_285 = tpu.memref_slice %arg4[%mul3A_2, %dma_wait3A_284] : memref<16384x1024xf32, #tpu.memory_space<hbm>> -> memref<16x1024xf32, #tpu.memory_space<hbm>>
        %dma_wait3A_286 = arith.constant 0 : i32
        %dma_wait3A_287 = tpu.memref_slice %arg4[%mul3A_2, %dma_wait3A_286] : memref<16384x1024xf32, #tpu.memory_space<hbm>> -> memref<16x1024xf32, #tpu.memory_space<hbm>>
        tpu.wait_dma2 semaphore(%arg13 : memref<!tpu.dma_semaphore, #tpu.memory_space<semaphore_mem>>) src(%arg9 : memref<16x1024xf32, #tpu.memory_space<vmem>>) dst(%dma_wait3A_287 : memref<16x1024xf32, #tpu.memory_space<hbm>>)
      } else {
      }
      %get3A_181 = arith.constant 0 : index
      %get3A_182 = tpu.vector_load %arg5[%get3A_181] {strides = array<i32>} : memref<1024xi32, #tpu.memory_space<vmem>>, vector<16xi32>,
      %gather3A_183 = tpu.vector_load_idx %arg7[%broadcast_in_dim3A_3, %get3A_182] : memref<16x1024xf32, #tpu.memory_space<vmem>>[vector<16xi32>, vector<16xi32>], vector<16xf32>,
      %gather3A_184 = tpu.vector_load_idx %arg7[%broadcast_in_dim3A_5, %get3A_182] : memref<16x1024xf32, #tpu.memory_space<vmem>>[vector<16xi32>, vector<16xi32>], vector<16xf32>,
      %gather3A_185 = tpu.vector_load_idx %arg7[%broadcast_in_dim3A_7, %get3A_182] : memref<16x1024xf32, #tpu.memory_space<vmem>>[vector<16xi32>, vector<16xi32>], vector<16xf32>,
      %gather3A_186 = tpu.vector_load_idx %arg7[%broadcast_in_dim3A_9, %get3A_182] : memref<16x1024xf32, #tpu.memory_space<vmem>>[vector<16xi32>, vector<16xi32>], vector<16xf32>,
      %gather3A_187 = tpu.vector_load_idx %arg7[%broadcast_in_dim3A_11, %get3A_182] : memref<16x1024xf32, #tpu.memory_space<vmem>>[vector<16xi32>, vector<16xi32>], vector<16xf32>,
      %gather3A_188 = tpu.vector_load_idx %arg7[%broadcast_in_dim3A_13, %get3A_182] : memref<16x1024xf32, #tpu.memory_space<vmem>>[vector<16xi32>, vector<16xi32>], vector<16xf32>,
      %gather3A_189 = tpu.vector_load_idx %arg7[%broadcast_in_dim3A_15, %get3A_182] : memref<16x1024xf32, #tpu.memory_space<vmem>>[vector<16xi32>, vector<16xi32>], vector<16xf32>,
      %gather3A_190 = tpu.vector_load_idx %arg7[%broadcast_in_dim3A_17, %get3A_182] : memref<16x1024xf32, #tpu.memory_space<vmem>>[vector<16xi32>, vector<16xi32>], vector<16xf32>,
      %swap3A_191 = arith.constant 0 : i32
      %swap3A_192 = arith.index_cast %swap3A_191 : i32 to index
      %swap3A_193 = arith.constant 0 : index
      %swap3A_194 = tpu.vector_load %arg9[%swap3A_192, %swap3A_193] {strides = array<i32>} : memref<16x1024xf32, #tpu.memory_space<vmem>>, vector<16xf32>,
      tpu.vector_store %arg9[%swap3A_192, %swap3A_193], %gather3A_183 {strides = array<i32>} : memref<16x1024xf32, #tpu.memory_space<vmem>>, vector<16xf32>,
      %swap3A_195 = arith.constant 1 : i32
      %swap3A_196 = arith.index_cast %swap3A_195 : i32 to index
      %swap3A_197 = arith.constant 0 : index
      %swap3A_198 = tpu.vector_load %arg9[%swap3A_196, %swap3A_197] {strides = array<i32>} : memref<16x1024xf32, #tpu.memory_space<vmem>>, vector<16xf32>,
      tpu.vector_store %arg9[%swap3A_196, %swap3A_197], %gather3A_184 {strides = array<i32>} : memref<16x1024xf32, #tpu.memory_space<vmem>>, vector<16xf32>,
      %swap3A_199 = arith.constant 2 : i32
      %swap3A_200 = arith.index_cast %swap3A_199 : i32 to index
      %swap3A_201 = arith.constant 0 : index
      %swap3A_202 = tpu.vector_load %arg9[%swap3A_200, %swap3A_201] {strides = array<i32>} : memref<16x1024xf32, #tpu.memory_space<vmem>>, vector<16xf32>,
      tpu.vector_store %arg9[%swap3A_200, %swap3A_201], %gather3A_185 {strides = array<i32>} : memref<16x1024xf32, #tpu.memory_space<vmem>>, vector<16xf32>,
      %swap3A_203 = arith.constant 3 : i32
      %swap3A_204 = arith.index_cast %swap3A_203 : i32 to index
      %swap3A_205 = arith.constant 0 : index
      %swap3A_206 = tpu.vector_load %arg9[%swap3A_204, %swap3A_205] {strides = array<i32>} : memref<16x1024xf32, #tpu.memory_space<vmem>>, vector<16xf32>,
      tpu.vector_store %arg9[%swap3A_204, %swap3A_205], %gather3A_186 {strides = array<i32>} : memref<16x1024xf32, #tpu.memory_space<vmem>>, vector<16xf32>,
      %swap3A_207 = arith.constant 4 : i32
      %swap3A_208 = arith.index_cast %swap3A_207 : i32 to index
      %swap3A_209 = arith.constant 0 : index
      %swap3A_210 = tpu.vector_load %arg9[%swap3A_208, %swap3A_209] {strides = array<i32>} : memref<16x1024xf32, #tpu.memory_space<vmem>>, vector<16xf32>,
      tpu.vector_store %arg9[%swap3A_208, %swap3A_209], %gather3A_187 {strides = array<i32>} : memref<16x1024xf32, #tpu.memory_space<vmem>>, vector<16xf32>,
      %swap3A_211 = arith.constant 5 : i32
      %swap3A_212 = arith.index_cast %swap3A_211 : i32 to index
      %swap3A_213 = arith.constant 0 : index
      %swap3A_214 = tpu.vector_load %arg9[%swap3A_212, %swap3A_213] {strides = array<i32>} : memref<16x1024xf32, #tpu.memory_space<vmem>>, vector<16xf32>,
      tpu.vector_store %arg9[%swap3A_212, %swap3A_213], %gather3A_188 {strides = array<i32>} : memref<16x1024xf32, #tpu.memory_space<vmem>>, vector<16xf32>,
      %swap3A_215 = arith.constant 6 : i32
      %swap3A_216 = arith.index_cast %swap3A_215 : i32 to index
      %swap3A_217 = arith.constant 0 : index
      %swap3A_218 = tpu.vector_load %arg9[%swap3A_216, %swap3A_217] {strides = array<i32>} : memref<16x1024xf32, #tpu.memory_space<vmem>>, vector<16xf32>,
      tpu.vector_store %arg9[%swap3A_216, %swap3A_217], %gather3A_189 {strides = array<i32>} : memref<16x1024xf32, #tpu.memory_space<vmem>>, vector<16xf32>,
      %swap3A_219 = arith.constant 7 : i32
      %swap3A_220 = arith.index_cast %swap3A_219 : i32 to index
      %swap3A_221 = arith.constant 0 : index
      %swap3A_222 = tpu.vector_load %arg9[%swap3A_220, %swap3A_221] {strides = array<i32>} : memref<16x1024xf32, #tpu.memory_space<vmem>>, vector<16xf32>,
      tpu.vector_store %arg9[%swap3A_220, %swap3A_221], %gather3A_190 {strides = array<i32>} : memref<16x1024xf32, #tpu.memory_space<vmem>>, vector<16xf32>,
      %gather3A_223 = tpu.vector_load_idx %arg7[%broadcast_in_dim3A_19, %get3A_182] : memref<16x1024xf32, #tpu.memory_space<vmem>>[vector<16xi32>, vector<16xi32>], vector<16xf32>,
      %gather3A_224 = tpu.vector_load_idx %arg7[%broadcast_in_dim3A_21, %get3A_182] : memref<16x1024xf32, #tpu.memory_space<vmem>>[vector<16xi32>, vector<16xi32>], vector<16xf32>,
      %gather3A_225 = tpu.vector_load_idx %arg7[%broadcast_in_dim3A_23, %get3A_182] : memref<16x1024xf32, #tpu.memory_space<vmem>>[vector<16xi32>, vector<16xi32>], vector<16xf32>,
      %gather3A_226 = tpu.vector_load_idx %arg7[%broadcast_in_dim3A_25, %get3A_182] : memref<16x1024xf32, #tpu.memory_space<vmem>>[vector<16xi32>, vector<16xi32>], vector<16xf32>,
      %gather3A_227 = tpu.vector_load_idx %arg7[%broadcast_in_dim3A_27, %get3A_182] : memref<16x1024xf32, #tpu.memory_space<vmem>>[vector<16xi32>, vector<16xi32>], vector<16xf32>,
      %gather3A_228 = tpu.vector_load_idx %arg7[%broadcast_in_dim3A_29, %get3A_182] : memref<16x1024xf32, #tpu.memory_space<vmem>>[vector<16xi32>, vector<16xi32>], vector<16xf32>,
      %gather3A_229 = tpu.vector_load_idx %arg7[%broadcast_in_dim3A_31, %get3A_182] : memref<16x1024xf32, #tpu.memory_space<vmem>>[vector<16xi32>, vector<16xi32>], vector<16xf32>,
      %gather3A_230 = tpu.vector_load_idx %arg7[%broadcast_in_dim3A_33, %get3A_182] : memref<16x1024xf32, #tpu.memory_space<vmem>>[vector<16xi32>, vector<16xi32>], vector<16xf32>,
      %scan3A_231 = arith.constant 1 : i32
      %scan3A_232 = arith.constant 63 : i32
      %scan3A_233 = arith.addi %scan3A_231, %scan3A_232 : i32
      %scan3A_234 = arith.constant 1 : i32
      %scan3A_235:8 = scf.for %scan3A_284 = %scan3A_231 to %scan3A_233 step %scan3A_234 iter_args(%scan3A_285 = %gather3A_223, %scan3A_286 = %gather3A_224, %scan3A_287 = %gather3A_225, %scan3A_288 = %gather3A_226, %scan3A_289 = %gather3A_227, %scan3A_290 = %gather3A_228, %scan3A_291 = %gather3A_229, %scan3A_292 = %gather3A_230) -> (vector<16xf32>, vector<16xf32>, vector<16xf32>, vector<16xf32>, vector<16xf32>, vector<16xf32>, vector<16xf32>, vector<16xf32>)  : i32 {
        %mul3A_293 = arith.constant 16 : i32
        %mul3A_294 = arith.muli %scan3A_284, %mul3A_293 : i32
        %get3A_295 = arith.index_cast %mul3A_294 : i32 to index
        %get3A_296 = tpu.vector_load %arg5[%get3A_295] {strides = array<i32>} : memref<1024xi32, #tpu.memory_space<vmem>>, vector<16xi32>,
        %gather3A_297 = tpu.vector_load_idx %arg7[%broadcast_in_dim3A_3, %get3A_296] : memref<16x1024xf32, #tpu.memory_space<vmem>>[vector<16xi32>, vector<16xi32>], vector<16xf32>,
        %gather3A_298 = tpu.vector_load_idx %arg7[%broadcast_in_dim3A_5, %get3A_296] : memref<16x1024xf32, #tpu.memory_space<vmem>>[vector<16xi32>, vector<16xi32>], vector<16xf32>,
        %gather3A_299 = tpu.vector_load_idx %arg7[%broadcast_in_dim3A_7, %get3A_296] : memref<16x1024xf32, #tpu.memory_space<vmem>>[vector<16xi32>, vector<16xi32>], vector<16xf32>,
        %gather3A_300 = tpu.vector_load_idx %arg7[%broadcast_in_dim3A_9, %get3A_296] : memref<16x1024xf32, #tpu.memory_space<vmem>>[vector<16xi32>, vector<16xi32>], vector<16xf32>,
        %gather3A_301 = tpu.vector_load_idx %arg7[%broadcast_in_dim3A_11, %get3A_296] : memref<16x1024xf32, #tpu.memory_space<vmem>>[vector<16xi32>, vector<16xi32>], vector<16xf32>,
        %gather3A_302 = tpu.vector_load_idx %arg7[%broadcast_in_dim3A_13, %get3A_296] : memref<16x1024xf32, #tpu.memory_space<vmem>>[vector<16xi32>, vector<16xi32>], vector<16xf32>,
        %gather3A_303 = tpu.vector_load_idx %arg7[%broadcast_in_dim3A_15, %get3A_296] : memref<16x1024xf32, #tpu.memory_space<vmem>>[vector<16xi32>, vector<16xi32>], vector<16xf32>,
        %gather3A_304 = tpu.vector_load_idx %arg7[%broadcast_in_dim3A_17, %get3A_296] : memref<16x1024xf32, #tpu.memory_space<vmem>>[vector<16xi32>, vector<16xi32>], vector<16xf32>,
        %sub3A = arith.constant 16 : i32
        %sub3A_305 = arith.subi %mul3A_294, %sub3A : i32
        %swap3A_306 = arith.constant 8 : i32
        %swap3A_307 = arith.index_cast %swap3A_306 : i32 to index
        %swap3A_308 = arith.index_cast %sub3A_305 : i32 to index
        %swap3A_309 = tpu.vector_load %arg9[%swap3A_307, %swap3A_308] {strides = array<i32>} : memref<16x1024xf32, #tpu.memory_space<vmem>>, vector<16xf32>,
        tpu.vector_store %arg9[%swap3A_307, %swap3A_308], %scan3A_285 {strides = array<i32>} : memref<16x1024xf32, #tpu.memory_space<vmem>>, vector<16xf32>,
        %swap3A_310 = arith.constant 9 : i32
        %swap3A_311 = arith.index_cast %swap3A_310 : i32 to index
        %swap3A_312 = arith.index_cast %sub3A_305 : i32 to index
        %swap3A_313 = tpu.vector_load %arg9[%swap3A_311, %swap3A_312] {strides = array<i32>} : memref<16x1024xf32, #tpu.memory_space<vmem>>, vector<16xf32>,
        tpu.vector_store %arg9[%swap3A_311, %swap3A_312], %scan3A_286 {strides = array<i32>} : memref<16x1024xf32, #tpu.memory_space<vmem>>, vector<16xf32>,
        %swap3A_314 = arith.constant 10 : i32
        %swap3A_315 = arith.index_cast %swap3A_314 : i32 to index
        %swap3A_316 = arith.index_cast %sub3A_305 : i32 to index
        %swap3A_317 = tpu.vector_load %arg9[%swap3A_315, %swap3A_316] {strides = array<i32>} : memref<16x1024xf32, #tpu.memory_space<vmem>>, vector<16xf32>,
        tpu.vector_store %arg9[%swap3A_315, %swap3A_316], %scan3A_287 {strides = array<i32>} : memref<16x1024xf32, #tpu.memory_space<vmem>>, vector<16xf32>,
        %swap3A_318 = arith.constant 11 : i32
        %swap3A_319 = arith.index_cast %swap3A_318 : i32 to index
        %swap3A_320 = arith.index_cast %sub3A_305 : i32 to index
        %swap3A_321 = tpu.vector_load %arg9[%swap3A_319, %swap3A_320] {strides = array<i32>} : memref<16x1024xf32, #tpu.memory_space<vmem>>, vector<16xf32>,
        tpu.vector_store %arg9[%swap3A_319, %swap3A_320], %scan3A_288 {strides = array<i32>} : memref<16x1024xf32, #tpu.memory_space<vmem>>, vector<16xf32>,
        %swap3A_322 = arith.constant 12 : i32
        %swap3A_323 = arith.index_cast %swap3A_322 : i32 to index
        %swap3A_324 = arith.index_cast %sub3A_305 : i32 to index
        %swap3A_325 = tpu.vector_load %arg9[%swap3A_323, %swap3A_324] {strides = array<i32>} : memref<16x1024xf32, #tpu.memory_space<vmem>>, vector<16xf32>,
        tpu.vector_store %arg9[%swap3A_323, %swap3A_324], %scan3A_289 {strides = array<i32>} : memref<16x1024xf32, #tpu.memory_space<vmem>>, vector<16xf32>,
        %swap3A_326 = arith.constant 13 : i32
        %swap3A_327 = arith.index_cast %swap3A_326 : i32 to index
        %swap3A_328 = arith.index_cast %sub3A_305 : i32 to index
        %swap3A_329 = tpu.vector_load %arg9[%swap3A_327, %swap3A_328] {strides = array<i32>} : memref<16x1024xf32, #tpu.memory_space<vmem>>, vector<16xf32>,
        tpu.vector_store %arg9[%swap3A_327, %swap3A_328], %scan3A_290 {strides = array<i32>} : memref<16x1024xf32, #tpu.memory_space<vmem>>, vector<16xf32>,
        %swap3A_330 = arith.constant 14 : i32
        %swap3A_331 = arith.index_cast %swap3A_330 : i32 to index
        %swap3A_332 = arith.index_cast %sub3A_305 : i32 to index
        %swap3A_333 = tpu.vector_load %arg9[%swap3A_331, %swap3A_332] {strides = array<i32>} : memref<16x1024xf32, #tpu.memory_space<vmem>>, vector<16xf32>,
        tpu.vector_store %arg9[%swap3A_331, %swap3A_332], %scan3A_291 {strides = array<i32>} : memref<16x1024xf32, #tpu.memory_space<vmem>>, vector<16xf32>,
        %swap3A_334 = arith.constant 15 : i32
        %swap3A_335 = arith.index_cast %swap3A_334 : i32 to index
        %swap3A_336 = arith.index_cast %sub3A_305 : i32 to index
        %swap3A_337 = tpu.vector_load %arg9[%swap3A_335, %swap3A_336] {strides = array<i32>} : memref<16x1024xf32, #tpu.memory_space<vmem>>, vector<16xf32>,
        tpu.vector_store %arg9[%swap3A_335, %swap3A_336], %scan3A_292 {strides = array<i32>} : memref<16x1024xf32, #tpu.memory_space<vmem>>, vector<16xf32>,
        %gather3A_338 = tpu.vector_load_idx %arg7[%broadcast_in_dim3A_19, %get3A_296] : memref<16x1024xf32, #tpu.memory_space<vmem>>[vector<16xi32>, vector<16xi32>], vector<16xf32>,
        %gather3A_339 = tpu.vector_load_idx %arg7[%broadcast_in_dim3A_21, %get3A_296] : memref<16x1024xf32, #tpu.memory_space<vmem>>[vector<16xi32>, vector<16xi32>], vector<16xf32>,
        %gather3A_340 = tpu.vector_load_idx %arg7[%broadcast_in_dim3A_23, %get3A_296] : memref<16x1024xf32, #tpu.memory_space<vmem>>[vector<16xi32>, vector<16xi32>], vector<16xf32>,
        %gather3A_341 = tpu.vector_load_idx %arg7[%broadcast_in_dim3A_25, %get3A_296] : memref<16x1024xf32, #tpu.memory_space<vmem>>[vector<16xi32>, vector<16xi32>], vector<16xf32>,
        %gather3A_342 = tpu.vector_load_idx %arg7[%broadcast_in_dim3A_27, %get3A_296] : memref<16x1024xf32, #tpu.memory_space<vmem>>[vector<16xi32>, vector<16xi32>], vector<16xf32>,
        %gather3A_343 = tpu.vector_load_idx %arg7[%broadcast_in_dim3A_29, %get3A_296] : memref<16x1024xf32, #tpu.memory_space<vmem>>[vector<16xi32>, vector<16xi32>], vector<16xf32>,
        %gather3A_344 = tpu.vector_load_idx %arg7[%broadcast_in_dim3A_31, %get3A_296] : memref<16x1024xf32, #tpu.memory_space<vmem>>[vector<16xi32>, vector<16xi32>], vector<16xf32>,
        %gather3A_345 = tpu.vector_load_idx %arg7[%broadcast_in_dim3A_33, %get3A_296] : memref<16x1024xf32, #tpu.memory_space<vmem>>[vector<16xi32>, vector<16xi32>], vector<16xf32>,
        %swap3A_346 = arith.constant 0 : i32
        %swap3A_347 = arith.index_cast %swap3A_346 : i32 to index
        %swap3A_348 = arith.index_cast %mul3A_294 : i32 to index
        %swap3A_349 = tpu.vector_load %arg9[%swap3A_347, %swap3A_348] {strides = array<i32>} : memref<16x1024xf32, #tpu.memory_space<vmem>>, vector<16xf32>,
        tpu.vector_store %arg9[%swap3A_347, %swap3A_348], %gather3A_297 {strides = array<i32>} : memref<16x1024xf32, #tpu.memory_space<vmem>>, vector<16xf32>,
        %swap3A_350 = arith.constant 1 : i32
        %swap3A_351 = arith.index_cast %swap3A_350 : i32 to index
        %swap3A_352 = arith.index_cast %mul3A_294 : i32 to index
        %swap3A_353 = tpu.vector_load %arg9[%swap3A_351, %swap3A_352] {strides = array<i32>} : memref<16x1024xf32, #tpu.memory_space<vmem>>, vector<16xf32>,
        tpu.vector_store %arg9[%swap3A_351, %swap3A_352], %gather3A_298 {strides = array<i32>} : memref<16x1024xf32, #tpu.memory_space<vmem>>, vector<16xf32>,
        %swap3A_354 = arith.constant 2 : i32
        %swap3A_355 = arith.index_cast %swap3A_354 : i32 to index
        %swap3A_356 = arith.index_cast %mul3A_294 : i32 to index
        %swap3A_357 = tpu.vector_load %arg9[%swap3A_355, %swap3A_356] {strides = array<i32>} : memref<16x1024xf32, #tpu.memory_space<vmem>>, vector<16xf32>,
        tpu.vector_store %arg9[%swap3A_355, %swap3A_356], %gather3A_299 {strides = array<i32>} : memref<16x1024xf32, #tpu.memory_space<vmem>>, vector<16xf32>,
        %swap3A_358 = arith.constant 3 : i32
        %swap3A_359 = arith.index_cast %swap3A_358 : i32 to index
        %swap3A_360 = arith.index_cast %mul3A_294 : i32 to index
        %swap3A_361 = tpu.vector_load %arg9[%swap3A_359, %swap3A_360] {strides = array<i32>} : memref<16x1024xf32, #tpu.memory_space<vmem>>, vector<16xf32>,
        tpu.vector_store %arg9[%swap3A_359, %swap3A_360], %gather3A_300 {strides = array<i32>} : memref<16x1024xf32, #tpu.memory_space<vmem>>, vector<16xf32>,
        %swap3A_362 = arith.constant 4 : i32
        %swap3A_363 = arith.index_cast %swap3A_362 : i32 to index
        %swap3A_364 = arith.index_cast %mul3A_294 : i32 to index
        %swap3A_365 = tpu.vector_load %arg9[%swap3A_363, %swap3A_364] {strides = array<i32>} : memref<16x1024xf32, #tpu.memory_space<vmem>>, vector<16xf32>,
        tpu.vector_store %arg9[%swap3A_363, %swap3A_364], %gather3A_301 {strides = array<i32>} : memref<16x1024xf32, #tpu.memory_space<vmem>>, vector<16xf32>,
        %swap3A_366 = arith.constant 5 : i32
        %swap3A_367 = arith.index_cast %swap3A_366 : i32 to index
        %swap3A_368 = arith.index_cast %mul3A_294 : i32 to index
        %swap3A_369 = tpu.vector_load %arg9[%swap3A_367, %swap3A_368] {strides = array<i32>} : memref<16x1024xf32, #tpu.memory_space<vmem>>, vector<16xf32>,
        tpu.vector_store %arg9[%swap3A_367, %swap3A_368], %gather3A_302 {strides = array<i32>} : memref<16x1024xf32, #tpu.memory_space<vmem>>, vector<16xf32>,
        %swap3A_370 = arith.constant 6 : i32
        %swap3A_371 = arith.index_cast %swap3A_370 : i32 to index
        %swap3A_372 = arith.index_cast %mul3A_294 : i32 to index
        %swap3A_373 = tpu.vector_load %arg9[%swap3A_371, %swap3A_372] {strides = array<i32>} : memref<16x1024xf32, #tpu.memory_space<vmem>>, vector<16xf32>,
        tpu.vector_store %arg9[%swap3A_371, %swap3A_372], %gather3A_303 {strides = array<i32>} : memref<16x1024xf32, #tpu.memory_space<vmem>>, vector<16xf32>,
        %swap3A_374 = arith.constant 7 : i32
        %swap3A_375 = arith.index_cast %swap3A_374 : i32 to index
        %swap3A_376 = arith.index_cast %mul3A_294 : i32 to index
        %swap3A_377 = tpu.vector_load %arg9[%swap3A_375, %swap3A_376] {strides = array<i32>} : memref<16x1024xf32, #tpu.memory_space<vmem>>, vector<16xf32>,
        tpu.vector_store %arg9[%swap3A_375, %swap3A_376], %gather3A_304 {strides = array<i32>} : memref<16x1024xf32, #tpu.memory_space<vmem>>, vector<16xf32>,
        scf.yield %gather3A_338, %gather3A_339, %gather3A_340, %gather3A_341, %gather3A_342, %gather3A_343, %gather3A_344, %gather3A_345 : vector<16xf32>, vector<16xf32>, vector<16xf32>, vector<16xf32>, vector<16xf32>, vector<16xf32>, vector<16xf32>, vector<16xf32>
      }
      %scan3A_236 = arith.constant 63 : i32
      %swap3A_237 = arith.constant 8 : i32
      %swap3A_238 = arith.index_cast %swap3A_237 : i32 to index
      %swap3A_239 = arith.constant 1008 : index
      %swap3A_240 = tpu.vector_load %arg9[%swap3A_238, %swap3A_239] {strides = array<i32>} : memref<16x1024xf32, #tpu.memory_space<vmem>>, vector<16xf32>,
      tpu.vector_store %arg9[%swap3A_238, %swap3A_239], %scan3A_235#0 {strides = array<i32>} : memref<16x1024xf32, #tpu.memory_space<vmem>>, vector<16xf32>,
      %swap3A_241 = arith.constant 9 : i32
      %swap3A_242 = arith.index_cast %swap3A_241 : i32 to index
      %swap3A_243 = arith.constant 1008 : index
      %swap3A_244 = tpu.vector_load %arg9[%swap3A_242, %swap3A_243] {strides = array<i32>} : memref<16x1024xf32, #tpu.memory_space<vmem>>, vector<16xf32>,
      tpu.vector_store %arg9[%swap3A_242, %swap3A_243], %scan3A_235#1 {strides = array<i32>} : memref<16x1024xf32, #tpu.memory_space<vmem>>, vector<16xf32>,
      %swap3A_245 = arith.constant 10 : i32
      %swap3A_246 = arith.index_cast %swap3A_245 : i32 to index
      %swap3A_247 = arith.constant 1008 : index
      %swap3A_248 = tpu.vector_load %arg9[%swap3A_246, %swap3A_247] {strides = array<i32>} : memref<16x1024xf32, #tpu.memory_space<vmem>>, vector<16xf32>,
      tpu.vector_store %arg9[%swap3A_246, %swap3A_247], %scan3A_235#2 {strides = array<i32>} : memref<16x1024xf32, #tpu.memory_space<vmem>>, vector<16xf32>,
      %swap3A_249 = arith.constant 11 : i32
      %swap3A_250 = arith.index_cast %swap3A_249 : i32 to index
      %swap3A_251 = arith.constant 1008 : index
      %swap3A_252 = tpu.vector_load %arg9[%swap3A_250, %swap3A_251] {strides = array<i32>} : memref<16x1024xf32, #tpu.memory_space<vmem>>, vector<16xf32>,
      tpu.vector_store %arg9[%swap3A_250, %swap3A_251], %scan3A_235#3 {strides = array<i32>} : memref<16x1024xf32, #tpu.memory_space<vmem>>, vector<16xf32>,
      %swap3A_253 = arith.constant 12 : i32
      %swap3A_254 = arith.index_cast %swap3A_253 : i32 to index
      %swap3A_255 = arith.constant 1008 : index
      %swap3A_256 = tpu.vector_load %arg9[%swap3A_254, %swap3A_255] {strides = array<i32>} : memref<16x1024xf32, #tpu.memory_space<vmem>>, vector<16xf32>,
      tpu.vector_store %arg9[%swap3A_254, %swap3A_255], %scan3A_235#4 {strides = array<i32>} : memref<16x1024xf32, #tpu.memory_space<vmem>>, vector<16xf32>,
      %swap3A_257 = arith.constant 13 : i32
      %swap3A_258 = arith.index_cast %swap3A_257 : i32 to index
      %swap3A_259 = arith.constant 1008 : index
      %swap3A_260 = tpu.vector_load %arg9[%swap3A_258, %swap3A_259] {strides = array<i32>} : memref<16x1024xf32, #tpu.memory_space<vmem>>, vector<16xf32>,
      tpu.vector_store %arg9[%swap3A_258, %swap3A_259], %scan3A_235#5 {strides = array<i32>} : memref<16x1024xf32, #tpu.memory_space<vmem>>, vector<16xf32>,
      %swap3A_261 = arith.constant 14 : i32
      %swap3A_262 = arith.index_cast %swap3A_261 : i32 to index
      %swap3A_263 = arith.constant 1008 : index
      %swap3A_264 = tpu.vector_load %arg9[%swap3A_262, %swap3A_263] {strides = array<i32>} : memref<16x1024xf32, #tpu.memory_space<vmem>>, vector<16xf32>,
      tpu.vector_store %arg9[%swap3A_262, %swap3A_263], %scan3A_235#6 {strides = array<i32>} : memref<16x1024xf32, #tpu.memory_space<vmem>>, vector<16xf32>,
      %swap3A_265 = arith.constant 15 : i32
      %swap3A_266 = arith.index_cast %swap3A_265 : i32 to index
      %swap3A_267 = arith.constant 1008 : index
      %swap3A_268 = tpu.vector_load %arg9[%swap3A_266, %swap3A_267] {strides = array<i32>} : memref<16x1024xf32, #tpu.memory_space<vmem>>, vector<16xf32>,
      tpu.vector_store %arg9[%swap3A_266, %swap3A_267], %scan3A_235#7 {strides = array<i32>} : memref<16x1024xf32, #tpu.memory_space<vmem>>, vector<16xf32>,
      %add3A_269 = arith.constant 2 : i32
      %add3A_270 = arith.addi %add3A_171, %add3A_269 : i32
      %lt3A_271 = arith.constant 32 : i32
      %lt3A_272 = arith.cmpi slt, %add3A_270, %lt3A_271 : i32
      %convert_element_type3A_273 = arith.extui %lt3A_272 : i1 to i32
      %cond3A_274 = arith.constant 0 : i32
      %cond3A_275 = arith.cmpi ne, %convert_element_type3A_273, %cond3A_274 : i32
      scf.if %cond3A_275 {
        %add3A_284 = arith.constant 2 : i32
        %add3A_285 = arith.addi %add3A_171, %add3A_284 : i32
        %mul3A_286 = arith.constant 16 : i32
        %mul3A_287 = arith.muli %add3A_285, %mul3A_286 : i32
        %add3A_288 = arith.addi %mul3A_2, %mul3A_287 : i32
        %dma_start3A_289 = arith.constant 0 : i32
        %dma_start3A_290 = tpu.memref_slice %arg2[%add3A_288, %dma_start3A_289] : memref<16384x1024xf32, #tpu.memory_space<hbm>> -> memref<16x1024xf32, #tpu.memory_space<hbm>>
        %dma_start3A_291 = arith.constant 0 : i32
        %dma_start3A_292 = tpu.memref_slice %arg2[%add3A_288, %dma_start3A_291] : memref<16384x1024xf32, #tpu.memory_space<hbm>> -> memref<16x1024xf32, #tpu.memory_space<hbm>>
        tpu.enqueue_dma source(%dma_start3A_292 : memref<16x1024xf32, #tpu.memory_space<hbm>>) target(%arg7 : memref<16x1024xf32, #tpu.memory_space<vmem>>) target_semaphore(%arg11 : memref<!tpu.dma_semaphore, #tpu.memory_space<semaphore_mem>>)
      } else {
      }
      %mul3A_276 = arith.constant 16 : i32
      %mul3A_277 = arith.muli %add3A_171, %mul3A_276 : i32
      %add3A_278 = arith.addi %mul3A_2, %mul3A_277 : i32
      %dma_start3A_279 = arith.constant 0 : i32
      %dma_start3A_280 = tpu.memref_slice %arg4[%add3A_278, %dma_start3A_279] : memref<16384x1024xf32, #tpu.memory_space<hbm>> -> memref<16x1024xf32, #tpu.memory_space<hbm>>
      %dma_start3A_281 = arith.constant 0 : i32
      %dma_start3A_282 = tpu.memref_slice %arg4[%add3A_278, %dma_start3A_281] : memref<16384x1024xf32, #tpu.memory_space<hbm>> -> memref<16x1024xf32, #tpu.memory_space<hbm>>
      tpu.enqueue_dma source(%arg9 : memref<16x1024xf32, #tpu.memory_space<vmem>>) target(%dma_start3A_282 : memref<16x1024xf32, #tpu.memory_space<hbm>>) target_semaphore(%arg13 : memref<!tpu.dma_semaphore, #tpu.memory_space<semaphore_mem>>)
      %scan3A_283 = arith.constant 0 : i32
      scf.yield %scan3A_283 : i32
    }
    %scan3A_50 = arith.constant 16 : i32
    %dma_wait3A = arith.constant 0 : i32
    %dma_wait3A_51 = tpu.memref_slice %arg4[%mul3A_2, %dma_wait3A] : memref<16384x1024xf32, #tpu.memory_space<hbm>> -> memref<16x1024xf32, #tpu.memory_space<hbm>>
    %dma_wait3A_52 = arith.constant 0 : i32
    %dma_wait3A_53 = tpu.memref_slice %arg4[%mul3A_2, %dma_wait3A_52] : memref<16384x1024xf32, #tpu.memory_space<hbm>> -> memref<16x1024xf32, #tpu.memory_space<hbm>>
    tpu.wait_dma2 semaphore(%arg12 : memref<!tpu.dma_semaphore, #tpu.memory_space<semaphore_mem>>) src(%arg8 : memref<16x1024xf32, #tpu.memory_space<vmem>>) dst(%dma_wait3A_53 : memref<16x1024xf32, #tpu.memory_space<hbm>>)
    %dma_wait3A_54 = arith.constant 0 : i32
    %dma_wait3A_55 = tpu.memref_slice %arg4[%mul3A_2, %dma_wait3A_54] : memref<16384x1024xf32, #tpu.memory_space<hbm>> -> memref<16x1024xf32, #tpu.memory_space<hbm>>
    %dma_wait3A_56 = arith.constant 0 : i32
    %dma_wait3A_57 = tpu.memref_slice %arg4[%mul3A_2, %dma_wait3A_56] : memref<16384x1024xf32, #tpu.memory_space<hbm>> -> memref<16x1024xf32, #tpu.memory_space<hbm>>
    tpu.wait_dma2 semaphore(%arg13 : memref<!tpu.dma_semaphore, #tpu.memory_space<semaphore_mem>>) src(%arg9 : memref<16x1024xf32, #tpu.memory_space<vmem>>) dst(%dma_wait3A_57 : memref<16x1024xf32, #tpu.memory_space<hbm>>)
    return
  }
}

module attributes {stable_mosaic.version = 14 : i64} {
  func.func @build(%arg0: memref<1024xi32, #tpu.memory_space<vmem>>, %arg1: memref<1024x1024xi8, #tpu.memory_space<vmem>>) attributes {dimension_semantics = [], scalar_prefetch = 0 : i64, scratch_operands = 0 : i64, tpu.core_type = #tpu.core_type<tc>} {
    %iota3A = tpu.iota {dimensions = array<i32: 0>} : vector<1024x1024xi32>
    %get3A = arith.constant 0 : index
    %get3A_0 = vector.load %arg0[%get3A] : memref<1024xi32, #tpu.memory_space<vmem>>, vector<1024xi32>
    %broadcast_in_dim3A = vector.shape_cast %get3A_0 : vector<1024xi32> to vector<1x1024xi32>
    %eq3A = vector.broadcast %broadcast_in_dim3A : vector<1x1024xi32> to vector<1024x1024xi32>
    %eq3A_1 = arith.cmpi eq, %eq3A, %iota3A : vector<1024x1024xi32>
    %convert_element_type3A = arith.extui %eq3A_1 : vector<1024x1024xi1> to vector<1024x1024xi8>
    %swap3A = arith.constant 0 : index
    %swap3A_2 = arith.constant 0 : index
    %swap3A_3 = vector.load %arg1[%swap3A, %swap3A_2] : memref<1024x1024xi8, #tpu.memory_space<vmem>>, vector<1024x1024xi8>
    tpu.vector_store %arg1[%swap3A, %swap3A_2], %convert_element_type3A {strides = array<i32>} : memref<1024x1024xi8, #tpu.memory_space<vmem>>, vector<1024x1024xi8>,
    return
  }
}

module attributes {stable_mosaic.version = 14 : i64} {
  func.func @mm(%arg0: i32, %arg1: memref<2048x1024xi8, #tpu.memory_space<vmem>>, %arg2: memref<1024x1024xi8, #tpu.memory_space<vmem>>, %arg3: memref<2048x1024xi8, #tpu.memory_space<vmem>>) attributes {dimension_semantics = [#tpu.dimension_semantics<arbitrary>], iteration_bounds = array<i64: 8>, scalar_prefetch = 0 : i64, scratch_operands = 0 : i64, tpu.core_type = #tpu.core_type<tc>, window_params = [{transform_indices = @transform_0, window_bounds = array<i64: 2048, 1024>}, {pipeline_mode = #tpu.pipeline_mode<synchronous>, transform_indices = @transform_1, window_bounds = array<i64: 1024, 1024>}, {transform_indices = @transform_2, window_bounds = array<i64: 2048, 1024>}]} {
    %get3A = arith.constant 0 : index
    %get3A_0 = arith.constant 0 : index
    %get3A_1 = vector.load %arg1[%get3A, %get3A_0] : memref<2048x1024xi8, #tpu.memory_space<vmem>>, vector<2048x1024xi8>
    %get3A_2 = arith.constant 0 : index
    %get3A_3 = arith.constant 0 : index
    %get3A_4 = vector.load %arg2[%get3A_2, %get3A_3] : memref<1024x1024xi8, #tpu.memory_space<vmem>>, vector<1024x1024xi8>
    %dot_general3A = arith.constant dense<0> : vector<2048x1024xi32>
    %dot_general3A_5 = tpu.matmul %get3A_1, %get3A_4, %dot_general3A {dimension_numbers = #tpu.dot_dimension_numbers<[1], [0], [0], [1], [0, 0, 1, 1], [], []>, transpose_lhs_hint = false} : vector<2048x1024xi8>, vector<1024x1024xi8>, vector<2048x1024xi32> -> vector<2048x1024xi32>
    %convert_element_type3A = arith.trunci %dot_general3A_5 : vector<2048x1024xi32> to vector<2048x1024xi8>
    %swap3A = arith.constant 0 : index
    %swap3A_6 = arith.constant 0 : index
    %swap3A_7 = vector.load %arg3[%swap3A, %swap3A_6] : memref<2048x1024xi8, #tpu.memory_space<vmem>>, vector<2048x1024xi8>
    tpu.vector_store %arg3[%swap3A, %swap3A_6], %convert_element_type3A {strides = array<i32>} : memref<2048x1024xi8, #tpu.memory_space<vmem>>, vector<2048x1024xi8>,
    return
  }
  func.func @transform_0(%arg0: i32) -> (i32, i32) {
    %c0_i32 = arith.constant 0 : i32
    %c0_i32_0 = arith.constant 0 : i32
    return %arg0, %c0_i32 : i32, i32
  }
  func.func @transform_1(%arg0: i32) -> (i32, i32) {
    %c0_i32 = arith.constant 0 : i32
    %c0_i32_0 = arith.constant 0 : i32
    %c0_i32_1 = arith.constant 0 : i32
    return %c0_i32, %c0_i32_0 : i32, i32
  }
  func.func @transform_2(%arg0: i32) -> (i32, i32) {
    %c0_i32 = arith.constant 0 : i32
    %c0_i32_0 = arith.constant 0 : i32
    return %arg0, %c0_i32 : i32, i32
  }
}

</mosaic_0001>

<sc_bundles>
// kernel: kernel.5.cloned.1.call-start
scs
__scs_entry_jumppad:
0x0: {  	(pc) =	sbr.rel $0x88, $3  }
0x1: {  	(tag) =	ssettag $0x0;
	lr =	simm.s32 $0x1  }
0x2: {  	[smem:$0x3F9E] =	sst lr;
	_ =	strace $0xD0000000  }
0x3: {  	_ = 	snop  }
0x4: {  	_ = 	snop  }
0x5: {  	_ = 	snop  }
0x6: {  	_ = 	snop  }
0x7: {  	_ = 	snop  }
__scs_overlays_trampoline_lowered:
0x8: {  	[smem:$0x3FAD] =	sst s0  }
0x9: {  	[smem:$0x3FAE] =	sst s1  }
0xa: {  	[smem:$0x3FAF] =	sst s2  }
0xb: {  	[smem:$0x3FB0] =	sst s3  }
0xc: {  	[smem:$0x3FB1] =	sst s4  }
0xd: {  	[smem:$0x3FB2] =	sst s5  }
0xe: {  	[smem:$0x3FB3] =	sst s6  }
0xf: {  	[smem:$0x3FB4] =	sst s7  }
0x10: {  	[smem:$0x3FB5] =	sst s8  }
0x11: {  	[smem:$0x3FB6] =	sst s9;
	s0 =	simm.s32 @!p0 $0x0  }
0x12: {  	s1 =	sld [smem:$0x3F9C];
	s0 =	simm.s32 @p0 $0x1  }
0x13: {  	[smem:$0x3FB7] =	sst s0;
	s0 =	simm.s32 @!p1 $0x0  }
0x14: {  	s2 =	sld [smem:$0x3F9B];
	s0 =	simm.s32 @p1 $0x1  }
0x15: {  	[smem:$0x3FB8] =	sst s0;
	s0 =	simm.s32 @!p2 $0x0  }
0x16: {  	s3 =	sld [smem:$0x3FDB];
	s0 =	simm.s32 @p2 $0x1  }
0x17: {  	s4 =	simm.s32 $0x1BF5;
	[smem:$0x3FBA] =	sst s0  }
0x18: {  	s0 =	sld [smem:$0x3F9D];
	_ =	swait.ge [sflag:s4], $0x0  }
0x19: {  	s7 =	sld [smem:$0x3F9E]  }
0x1a: {  	s8 =	sadd.s32 $0xFFFFE003, lr  }
0x1b: {  	s9 =	sadd.s32 $0xFFFFFEF7, lr;
	s5 =	simm.s32 $0xFFFFFFFF;
	p2 =	slt.u32 s8, $0xFFFFF086  }
0x1c: {  	p1 =	slt.u32 s9, $0xF7A;
	s5 =	simm.s32 @!p2 $0x0  }
0x1d: {  	s5 =	simm.s32 @p1 $0x1;
	p0 =	seq.s32 s7, s2  }
0x1e: {  	s7 =	smul.u32 @!p0 $0xF7A, s2;
	p2 =	seq.s32 @!p0 s5, $0x0  }
0x1f: {  	s9 =	smul.u32 $0xF7A, s1;
	s8 =	simm.s32 @!p0 $0x1BF5;
	p2 =	por !p2, p0  }
0x20: {  	[sflag:s8] =	ssyncset.s32 @!p0 $0xFFFFF086;
	s6 =	sadd.s32 @!p0 s3, s7;
	s7 =	simm.s32 @!p0 $0x108  }
0x21: {  	s3 =	sadd.s32 s3, s9;
	s6 =	sadd.s32 @!p0 $0x88, s6;
	s7 =	simm.s32 @p2 $0x1082  }
0x22: {  	[simem:s7], [sflag:s8] =	dma.local @!p0 [hbm:s6], $0xF7A  }
0x23: {  	s9 =	sor.u32 $0xD0000000, s2;
	s6 =	simm.s32 $0x108;
	_ =	swait.ge @!p0 [sflag:s8], $0x0  }
0x24: {  	s3 =	sadd.s32 $0x88, s3;
	s6 =	simm.s32 @!p1 $0x1082;
	[sflag:s4] =	ssyncset.s32 $0xFFFFF086  }
0x25: {  	[simem:s6], [sflag:s4] =	dma.local [hbm:s3], $0xF7A  }
0x26: {  	[smem:$0x3F9E] =	sst s1;
	(tag) =	ssettag s2;
	_ =	strace s9  }
0x27: {  	s1 =	sld [smem:$0x3FAE]  }
0x28: {  	s2 =	sld [smem:$0x3FAF]  }
0x29: {  	s4 =	sld [smem:$0x3FB1]  }
0x2a: {  	p0 =	seq.s32 s5, $0x0;
	s5 =	sld [smem:$0x3FB2]  }
0x2b: {  	s6 =	sld [smem:$0x3FB3]  }
0x2c: {  	s7 =	sld [smem:$0x3FB4]  }
0x2d: {  	s3 =	simm.s32 $0x108;
	s8 =	sld [smem:$0x3FB5]  }
0x2e: {  	s3 =	simm.s32 @!p0 $0x1082;
	s9 =	sld [smem:$0x3FB6]  }
0x2f: {  	lr =	sadd.s32 s0, s3;
	s0 =	sld [smem:$0x3FAD]  }
0x30: {  	s3 =	sld [smem:$0x3FB0]  }
0x31: {  	[smem:$0x3FB9] =	sst s10  }
0x32: {  	s10 =	sld [smem:$0x3FB7];
	_ =	sdelay $0x3  }
0x33: {  	p0 =	seq.s32 s10, $0x1;
	s10 =	sld [smem:$0x3FB9];
	_ =	sdelay $0x3  }
0x34: {  	[smem:$0x3FB9] =	sst s10  }
0x35: {  	s10 =	sld [smem:$0x3FB8];
	_ =	sdelay $0x3  }
0x36: {  	p1 =	seq.s32 s10, $0x1;
	s10 =	sld [smem:$0x3FB9];
	_ =	sdelay $0x3  }
0x37: {  	[smem:$0x3FB9] =	sst s10  }
0x38: {  	s10 =	sld [smem:$0x3FBA]  }
0x39: {  	_ = 	snop;
	(pc) =	sbr.ind lr, $3  }
0x3a: {  	_ = 	snop  }
0x3b: {  	_ = 	snop  }
0x3c: {  	p2 =	seq.s32 s10, $0x1;
	s10 =	sld [smem:$0x3FB9]  }
0x3d: {  	_ =	shalt  }
0x3e: {  	_ =	shalt  }
0x3f: {  	_ =	shalt  }
0x40: {  	_ =	shalt  }
0x41: {  	_ =	shalt  }
0x42: {  	_ =	shalt  }
0x43: {  	_ =	shalt  }
0x44: {  	_ =	shalt  }
0x45: {  	_ =	shalt  }
0x46: {  	_ =	shalt  }
0x47: {  	_ =	shalt  }
0x48: {  	_ =	shalt  }
0x49: {  	_ =	shalt  }
0x4a: {  	_ =	shalt  }
0x4b: {  	_ =	shalt  }
0x4c: {  	_ =	shalt  }
0x4d: {  	_ =	shalt  }
0x4e: {  	_ =	shalt  }
0x4f: {  	_ =	shalt  }
0x50: {  	_ =	shalt  }
0x51: {  	_ =	shalt  }
0x52: {  	_ =	shalt  }
0x53: {  	_ =	shalt  }
0x54: {  	_ =	shalt  }
0x55: {  	_ =	shalt  }
0x56: {  	_ =	shalt  }
0x57: {  	_ =	shalt  }
0x58: {  	_ =	shalt  }
0x59: {  	_ =	shalt  }
0x5a: {  	_ =	shalt  }
0x5b: {  	_ =	shalt  }
0x5c: {  	_ =	shalt  }
0x5d: {  	_ =	shalt  }
0x5e: {  	_ =	shalt  }
0x5f: {  	_ =	shalt  }
0x60: {  	_ =	shalt  }
0x61: {  	_ =	shalt  }
0x62: {  	_ =	shalt  }
0x63: {  	_ =	shalt  }
0x64: {  	_ =	shalt  }
0x65: {  	_ =	shalt  }
0x66: {  	_ =	shalt  }
0x67: {  	_ =	shalt  }
0x68: {  	_ =	shalt  }
0x69: {  	_ =	shalt  }
0x6a: {  	_ =	shalt  }
0x6b: {  	_ =	shalt  }
0x6c: {  	_ =	shalt  }
0x6d: {  	_ =	shalt  }
0x6e: {  	_ =	shalt  }
0x6f: {  	_ =	shalt  }
0x70: {  	_ =	shalt  }
0x71: {  	_ =	shalt  }
0x72: {  	_ =	shalt  }
0x73: {  	_ =	shalt  }
0x74: {  	_ =	shalt  }
0x75: {  	_ =	shalt  }
0x76: {  	_ =	shalt  }
0x77: {  	_ =	shalt  }
0x78: {  	_ =	shalt  }
0x79: {  	_ =	shalt  }
0x7a: {  	_ =	shalt  }
0x7b: {  	_ =	shalt  }
0x7c: {  	_ =	shalt  }
0x7d: {  	_ =	shalt  }
0x7e: {  	_ =	shalt  }
0x7f: {  	_ =	shalt  }
0x80: {  	_ =	shalt  }
0x81: {  	_ =	shalt  }
0x82: {  	_ =	shalt  }
0x83: {  	_ =	shalt  }
0x84: {  	_ =	shalt  }
0x85: {  	_ =	shalt  }
0x86: {  	_ =	shalt  }
0x87: {  	_ =	shalt  }
.Lfunc_end0:
.L_simem_size_0:
called_computation_lowered:
.L_overlay_start_0:
0x88: {  	s2 =	sld [smem:$0x3FD9]  }
0x89: {  	s3 =	sld [smem:$0x3FFE];
	_ =	sdelay $0x1  }
0x8a: {  	s1 =	srdreg.scid  }
0x8b: {  	s0 =	sand.u32 $0x1, s1  }
0x8c: {  	s15 =	sshll.u32 s0, $0xA;
	s2 =	sadd.s32 s3, s2  }
0x8d: {  	s2 =	sadd.s32 s2, s15  }
0x8e: {  	[smem:$0x3FC5] =	sst s2  }
0x8f: {  	_ = 	snop  }
0x90: {  	s2 =	sld [smem:$0x3FD0];
	_ =	sdelay $0x1  }
0x91: {  	s16 =	sld [smem:$0x3FC9]  }
0x92: {  	s5 =	simm.s32 $0xA;
	s6 =	simm.s32 $0x10;
	s4 =	sld [smem:$0x3FC7]  }
0x93: {  	[smem:s6], [sflag:s5] =	dma.local [hbm:s2], $0x1  }
0x94: {  	_ =	swait.eq [sflag:s5], $0x1  }
0x95: {  	[sflag:s5] =	ssyncset.done $0x0  }
0x96: {  	[sflag:s5] =	ssyncadd.s32 $0xFFFFFFFF  }
0x97: {  	s17 =	sld [smem:$0x10];
	(tm) =	ssettm $0x1  }
0x98: {  	s18 =	sld [smem:$0x3FFB];
	_ =	sdelay $0x3  }
0x99: {  	_ =	strace s18  }
0x9a: {  	s5 =	sld [smem:$0x3FFC];
	_ =	sdelay $0x3  }
0x9b: {  	_ =	strace s5  }
0x9c: {  	s5 =	sld [smem:$0x3FFD];
	_ =	sdelay $0x3  }
0x9d: {  	_ =	strace s5  }
0x9e: {  	_ =	strace $0x8FFFFFFF  }
0x9f: {  	s19 =	sld [smem:$0x3FDB];
	_ =	sdelay $0x1  }
0xa0: {  	s20 =	simm.s32 $_scs_section_size  }
0xa1: {  	s7 =	simm.s32 $_size__tile_overlayer_lowered;
	s8 =	simm.s32 $_tile_overlayer_lowered  }
0xa2: {  	s23 =	simm.s32 $0x1BFF;
	s22 =	sshll.u32 s8, $0x1;
	s5 =	sadd.s32 s20, s19  }
0xa3: {  	s9 =	simm.s32 $0x0;
	s21 =	sshll.u32 s7, $0x1;
	s7 =	sadd.s32 s22, s5  }
0xa4: {  	[timem:s9], [sflag:s23] =	dma.local [hbm:s7], s21  }
0xa5: {  	_ =	swait.ge [sflag:s23], s21  }
0xa6: {  	s6 =	ssub.s32 $0x0, s21;
	[sflag:s23] =	ssyncset.done $0x0  }
0xa7: {  	[sflag:s23] =	ssyncadd.s32 s6;
	_ =	sdelay $0x1  }
0xa8: {  	s24 =	simm.s32 $0x1B8B  }
0xa9: {  	_ =	swait.ge [sflag:s24], $0x1  }
0xaa: {  	[sflag:s24] =	ssyncset.done $0x0  }
0xab: {  	s25 =	simm.s32 $0x1B8E;
	[sflag:s24] =	ssyncadd.s32 $0xFFFFFFFF  }
0xac: {  	s26 =	simm.s32 $execute0_lowered;
	[smem:$0x3FD2] =	sst s25  }
0xad: {  	s6 =	sshll.u32 s26, $0x1;
	_ =	strace $0x80000046;
	[dreg:$0x1] =	wrdreg $0xFFFFFFFF  }
0xae: {  	s28 =	simm.s32 $_size_execute0_lowered;
	s5 =	sadd.s32 s5, s6;
	[dreg:$0x0] =	wrdreg $0x0  }
0xaf: {  	s6 =	sshll.u32 s28, $0x1;
	[dreg:$0x2] =	wrdreg s5  }
0xb0: {  	[dreg:$0x3] =	wrdreg s6  }
0xb1: {  	[dreg:$0x4] =	wrdreg $0xC0  }
0xb2: {  	_ =	task [dreg:s9], $0x5FFFF  }
0xb3: {  	[dreg:$0x1] =	wrdreg $0xFFFFFFFF  }
0xb4: {  	[dreg:$0x0] =	wrdreg $0x60  }
0xb5: {  	[dreg:$0x2] =	wrdreg s16  }
0xb6: {  	[dreg:$0x3] =	wrdreg s4  }
0xb7: {  	[dreg:$0x4] =	wrdreg s17  }
0xb8: {  	[dreg:$0x5] =	wrdreg $0x9  }
0xb9: {  	_ =	task.clear_ibuf [dreg:s9], $0x6FFFF;
	_ =	strace $0x90000046  }
0xba: {  	s29 =	simm.s32 $0x9;
	_ =	strace $0x80000048  }
0xbb: {  	_ =	swait.ge [sflag:s29], $0x1  }
0xbc: {  	[sflag:s29] =	ssyncadd.s32 $0xFFFFFFFF  }
0xbd: {  	_ =	strace $0x90000048  }
0xbe: {  	_ =	sfence  }
0xbf: {  	s30 =	sld [smem:$0x0];
	_ =	sdelay $0x2  }
0xc0: {  	s31 =	sshll.u32 s1, $0xD;
	s1 =	sshrl.u32 s1, $0x2  }
0xc1: {  	s3 =	sand.u32 $0x4000, s31;
	s1 =	sadd.s32 s1, s30  }
0xc2: {  	s0 =	sor.u32 s3, s0;
	s1 =	sshll.u32 s1, $0x11  }
0xc3: {  	s0 =	sor.u32 s1, s0  }
0xc4: {  	s0 =	sadd.s32 $0x8F2B, s0  }
0xc5: {  	[sflag:s0] =	ssyncadd.remote.s32 $0x1  }
0xc6: {  	_ =	sfence.sel $0xFFFF  }
0xc7: {  	[dreg:$0x0] =	wrdreg $0xFFFFFFFF;
	(pc) =	sbr.abs _section_cstart, $3  }
0xc8: {  	[dreg:$0x1] =	wrdreg $0xFFFFFFFF  }
0xc9: {  	_ =	task.clear_ibuf [dreg:s9], $0x2FFFF;
	_ =	strace $0x9FFFFFFF  }
0xca: {  	(tm) =	ssettm $0x7FFFFFFF  }
0xcb: {  	_ =	shalt  }
tec
execute0_lowered:
.L_overlay_start_1:
0x0: {  	(tag) =	ssettag $0x1  }
0x1: {  	s4 =	rddreg [dreg:$0x0]  }
0x2: {  	s2 =	rddreg [dreg:$0x1];
	s0 =	srdreg.scid  }
0x3: {  	s7 =	rddreg [dreg:$0x2];
	s1 =	stileid.u32;
	s3 =	simm.s32 $0x0  }
0x4: {  	s11 =	simm.s32 $0x400;
	s12 =	simm.s32 $0x4400;
	s13 =	simm.s32 $0x5  }
0x5: {  	s14 =	simm.s32 $0x1;
	s15 =	simm.s32 $0x8400;
	s16 =	simm.s32 $0x2  }
0x6: {  	s17 =	simm.s32 $0xC400;
	s18 =	simm.s32 $0x3;
	s19 =	simm.s32 $0x4  }
0x7: {  	s20 =	simm.s32 $0x0;
	s5 =	sand.u32 $0x1, s0;
	s0 =	rddreg [dreg:$0x3]  }
0x8: {  	s6 =	sshll.u32 s1, $0x11;
	s8 =	sshll.u32 s5, $0x10;
	s5 =	ssub.s32 $0x2, s5  }
0x9: {  	[smem:$0x7FF] =	sst s3;
	s8 =	sor.u32 s8, s6;
	s31 =	sshrl.u32 s5, $0x1  }
0xa: {  	_ =	strace $0x80000047;
	s4 =	sadd.s32 s4, s8;
	s9 =	ssub.s32 s5, s31  }
0xb: {  	s7 =	sadd.s32 s7, s8;
	s5 =	sadd.s32 $0x800, s4;
	s6 =	sadd.s32 $0x1000, s4  }
0xc: {  	s8 =	sadd.s32 $0x1800, s4;
	s9 =	smax.u32 s9, $0x1;
	s10 =	sadd.s32 $0x800, s7  }
.LBB2_1:
0xd: {  	[tilespmem:s11], [sflag:$0x1] =	stream.linear.gather [hbm4b:s4+s3], $0x4000, $0x38;
	[tilespmem:$0x10400] =	vst v63  }
0xe: {  	_ = 	snop  }
0xf: {  	[tilespmem:s12], [sflag:$0x2] =	stream.linear.gather [hbm4b:s5+s3], $0x4000, $0x38;
	[tilespmem:$0x10400] =	vst v63  }
0x10: {  	_ = 	snop  }
0x11: {  	[tilespmem:s3], [sflag:$0x5] =	stream.linear.gather [hbm4b:s2+s3], $0x400, $0x38;
	[tilespmem:$0x10400] =	vst v63  }
0x12: {  	_ =	swait.ge [sflag:s13], $0x400  }
0x13: {  	[sflag:s13] =	ssyncset.done $0x0  }
0x14: {  	s21 =	simm.s32 $0x0;
	[sflag:s13] =	ssyncadd.s32 $0xFFFFFC00  }
.LBB2_2:
0x15: {  	_ =	swait.ge [sflag:s14], $0x4000  }
0x16: {  	p0 =	seq.s32 s21, $0x0;
	[sflag:s14] =	ssyncset.done $0x0  }
0x17: {  	s22 =	simm.s32 @!p0 $0x3;
	[sflag:s14] =	ssyncadd.s32 $0xFFFFC000  }
0x18: {  	_ =	swait.ge @!p0 [sflag:s22], $0x4000  }
0x19: {  	[sflag:s22] =	ssyncset.done @!p0 $0x0  }
0x1a: {  	[sflag:s22] =	ssyncadd.s32 @!p0 $0xFFFFC000  }
0x1b: {  	v0 =	vld [tilespmem:$0x0];
	_ =	sdelay $0x4  }
0x1c: {  	v1 =	vshll.u32 v0, $0x3  }
0x1d: {  	v0 =	vand.u32 $0x7F, v0;
	v1 =	vand.u32 $0xFFFFFC00, v1  }
0x1e: {  	v2 =	vor.u32 v0, v1  }
0x1f: {  	v0 =	vor.u32 $0x80, v2  }
0x20: {  	v1 =	vor.u32 $0x100, v2  }
0x21: {  	v3 =	vor.u32 $0x180, v2  }
0x22: {  	v4 =	vor.u32 $0x200, v2  }
0x23: {  	v6 =	vor.u32 $0x280, v2;
	v5 =	vld.idx.msk [tilespmem:v2+s11+$0x0], $0xffff  }
0x24: {  	v7 =	vor.u32 $0x300, v2;
	v0 =	vld.idx.msk [tilespmem:v0+s11+$0x0], $0xffff  }
0x25: {  	v8 =	vor.u32 $0x380, v2;
	v1 =	vld.idx.msk [tilespmem:v1+s11+$0x0], $0xffff  }
0x26: {  	v3 =	vld.idx.msk [tilespmem:v3+s11+$0x0], $0xffff  }
0x27: {  	v4 =	vld.idx.msk [tilespmem:v4+s11+$0x0], $0xffff  }
0x28: {  	v6 =	vld.idx.msk [tilespmem:v6+s11+$0x0], $0xffff  }
0x29: {  	v7 =	vld.idx.msk [tilespmem:v7+s11+$0x0], $0xffff  }
0x2a: {  	v8 =	vld.idx.msk [tilespmem:v8+s11+$0x0], $0xffff;
	[tilespmem:$0x8400] =	vst v5  }
0x2b: {  	[tilespmem:$0x8480] =	vst v0  }
0x2c: {  	[tilespmem:$0x8500] =	vst v1  }
0x2d: {  	v5 =	vadd.s32 $0x2180, v2;
	[tilespmem:$0x8580] =	vst v3  }
0x2e: {  	v9 =	vadd.s32 $0x2300, v2;
	[tilespmem:$0x8600] =	vst v4  }
0x2f: {  	v0 =	vadd.s32 $0x2000, v2;
	[tilespmem:$0x8680] =	vst v6  }
0x30: {  	v1 =	vadd.s32 $0x2080, v2;
	[tilespmem:$0x8700] =	vst v7  }
0x31: {  	v3 =	vadd.s32 $0x2100, v2;
	[tilespmem:$0x8780] =	vst v8  }
0x32: {  	v6 =	vadd.s32 $0x2200, v2;
	v7 =	vld.idx.msk [tilespmem:v5+s11+$0x0], $0xffff  }
0x33: {  	v8 =	vadd.s32 $0x2280, v2;
	v5 =	vld.idx.msk [tilespmem:v9+s11+$0x0], $0xffff  }
0x34: {  	v2 =	vadd.s32 $0x2380, v2;
	v0 =	vld.idx.msk [tilespmem:v0+s11+$0x0], $0xffff  }
0x35: {  	v1 =	vld.idx.msk [tilespmem:v1+s11+$0x0], $0xffff  }
0x36: {  	v4 =	vld.idx.msk [tilespmem:v3+s11+$0x0], $0xffff  }
0x37: {  	v6 =	vld.idx.msk [tilespmem:v6+s11+$0x0], $0xffff  }
0x38: {  	s23 =	simm.s32 $0x10;
	v3 =	vld.idx.msk [tilespmem:v8+s11+$0x0], $0xffff  }
0x39: {  	s24 =	simm.s32 $0x80;
	s25 =	simm.s32 $0x10;
	s22 =	sshll.u32 s21, $0xC;
	v2 =	vld.idx.msk [tilespmem:v2+s11+$0x0], $0xffff  }
.LBB2_3:
0x3a: {  	v8 =	vld [tilespmem:s23+$0x0];
	_ =	sdelay $0x4  }
0x3b: {  	v9 =	vshll.u32 v8, $0x3  }
0x3c: {  	v8 =	vand.u32 $0x7F, v8;
	v9 =	vand.u32 $0xFFFFFC00, v9  }
0x3d: {  	v8 =	vor.u32 v8, v9  }
0x3e: {  	v9 =	vor.u32 $0x80, v8  }
0x3f: {  	v10 =	vor.u32 $0x100, v8  }
0x40: {  	v11 =	vor.u32 $0x180, v8  }
0x41: {  	v12 =	vor.u32 $0x200, v8  }
0x42: {  	v14 =	vor.u32 $0x280, v8;
	v13 =	vld.idx.msk [tilespmem:v8+s11+$0x0], $0xffff  }
0x43: {  	v15 =	vor.u32 $0x300, v8;
	v9 =	vld.idx.msk [tilespmem:v9+s11+$0x0], $0xffff  }
0x44: {  	v16 =	vor.u32 $0x380, v8;
	v10 =	vld.idx.msk [tilespmem:v10+s11+$0x0], $0xffff  }
0x45: {  	v11 =	vld.idx.msk [tilespmem:v11+s11+$0x0], $0xffff  }
0x46: {  	s26 =	sadd.s32 $0xFFFFFFF0, s25;
	s28 =	sadd.s32 $0xFFFFFF80, s24;
	v12 =	vld.idx.msk [tilespmem:v12+s11+$0x0], $0xffff  }
0x47: {  	s26 =	sand.u32 $0x70, s26;
	s28 =	sand.u32 $0xFFFFFC00, s28;
	v14 =	vld.idx.msk [tilespmem:v14+s11+$0x0], $0xffff  }
0x48: {  	s26 =	sor.u32 s26, s28;
	v15 =	vld.idx.msk [tilespmem:v15+s11+$0x0], $0xffff  }
0x49: {  	v16 =	vld.idx.msk [tilespmem:v16+s11+$0x0], $0xffff;
	[tilespmem:s26+$0xA400] =	vst v0  }
0x4a: {  	[tilespmem:s26+$0xA480] =	vst v1  }
0x4b: {  	[tilespmem:s26+$0xA500] =	vst v4  }
0x4c: {  	[tilespmem:s26+$0xA580] =	vst v7;
	v0 =	vadd.s32 $0x2000, v8  }
0x4d: {  	[tilespmem:s26+$0xA600] =	vst v6;
	v1 =	vadd.s32 $0x2080, v8  }
0x4e: {  	[tilespmem:s26+$0xA680] =	vst v3;
	v3 =	vadd.s32 $0x2100, v8  }
0x4f: {  	[tilespmem:s26+$0xA700] =	vst v5;
	v5 =	vadd.s32 $0x2180, v8  }
0x50: {  	[tilespmem:s26+$0xA780] =	vst v2;
	v2 =	vadd.s32 $0x2200, v8  }
0x51: {  	v17 =	vadd.s32 $0x2280, v8;
	v0 =	vld.idx.msk [tilespmem:v0+s11+$0x0], $0xffff  }
0x52: {  	v18 =	vadd.s32 $0x2300, v8;
	v1 =	vld.idx.msk [tilespmem:v1+s11+$0x0], $0xffff  }
0x53: {  	v8 =	vadd.s32 $0x2380, v8;
	v4 =	vld.idx.msk [tilespmem:v3+s11+$0x0], $0xffff  }
0x54: {  	v7 =	vld.idx.msk [tilespmem:v5+s11+$0x0], $0xffff  }
0x55: {  	v6 =	vld.idx.msk [tilespmem:v2+s11+$0x0], $0xffff  }
0x56: {  	s31 =	sand.u32 $0x70, s25;
	s29 =	sand.u32 $0x1C00, s24;
	v3 =	vld.idx.msk [tilespmem:v17+s11+$0x0], $0xffff  }
0x57: {  	s26 =	sor.u32 s31, s29;
	v5 =	vld.idx.msk [tilespmem:v18+s11+$0x0], $0xffff  }
0x58: {  	v2 =	vld.idx.msk [tilespmem:v8+s11+$0x0], $0xffff;
	[tilespmem:s26+$0x8400] =	vst v13  }
0x59: {  	[tilespmem:s26+$0x8480] =	vst v9  }
0x5a: {  	p1 =	sne.s32 s25, $0x3F0;
	[tilespmem:s26+$0x8500] =	vst v10  }
.Ltmp0:
0x5b: {  	[tilespmem:s26+$0x8580] =	vst v11;
	(pc) =	sbr.rel @p1 .LBB2_3-.Ltmp0, $4  }
0x5c: {  	[tilespmem:s26+$0x8600] =	vst v12  }
0x5d: {  	s30 =	sor.u32 s24, s25;
	[tilespmem:s26+$0x8680] =	vst v14  }
0x5e: {  	s31 =	sor.u32 $0x380, s30;
	[tilespmem:s26+$0x8700] =	vst v15  }
0x5f: {  	s24 =	sadd.s32 $0x80, s24;
	s23 =	sadd.s32 $0x10, s23;
	s25 =	sadd.s32 $0x10, s25;
	[tilespmem:s31+$0x8400] =	vst v16  }
0x60: {  	[tilespmem:$0xC070] =	vst v0  }
0x61: {  	[tilespmem:$0xC0F0] =	vst v1  }
0x62: {  	[tilespmem:$0xC170] =	vst v4  }
0x63: {  	[tilespmem:$0xC1F0] =	vst v7  }
0x64: {  	[tilespmem:$0xC270] =	vst v6  }
0x65: {  	[tilespmem:$0xC2F0] =	vst v3  }
0x66: {  	[tilespmem:$0xC370] =	vst v5;
	p1 =	seq.s32 s21, $0xF  }
0x67: {  	[tilespmem:$0xC3F0] =	vst v2;
	s23 =	sadd.s32 @!p1 s22, s6;
	s24 =	simm.s32 @!p1 $0x0;
	s25 =	simm.s32 @!p1 $0x400  }
0x68: {  	[tilespmem:s25], [sflag:$0x1] =	stream.linear.gather @!p1 [hbm4b:s23+s24], $0x4000, $0x38;
	[tilespmem:$0x10400] =	vst v63  }
0x69: {  	s31 =	sadd.s32 s22, s7  }
0x6a: {  	[hbm4b:s31+s3] =	stream.linear.scatter [tilespmem:s15], [sflag:$0x3], $0x4000, $0x38;
	[tilespmem:$0x10400] =	vst v63  }
0x6b: {  	_ =	swait.ge [sflag:s16], $0x4000  }
0x6c: {  	[sflag:s16] =	ssyncset.done $0x0  }
0x6d: {  	s23 =	simm.s32 @!p0 $0x4;
	[sflag:s16] =	ssyncadd.s32 $0xFFFFC000  }
0x6e: {  	_ =	swait.ge @!p0 [sflag:s23], $0x4000  }
0x6f: {  	[sflag:s23] =	ssyncset.done @!p0 $0x0  }
0x70: {  	[sflag:s23] =	ssyncadd.s32 @!p0 $0xFFFFC000  }
0x71: {  	v0 =	vld [tilespmem:$0x0];
	_ =	sdelay $0x4  }
0x72: {  	v1 =	vshll.u32 v0, $0x3  }
0x73: {  	v0 =	vand.u32 $0x7F, v0;
	v1 =	vand.u32 $0xFFFFFC00, v1  }
0x74: {  	v2 =	vor.u32 v0, v1  }
0x75: {  	v0 =	vor.u32 $0x80, v2  }
0x76: {  	v1 =	vor.u32 $0x100, v2  }
0x77: {  	v3 =	vor.u32 $0x180, v2  }
0x78: {  	v4 =	vor.u32 $0x200, v2  }
0x79: {  	v6 =	vor.u32 $0x280, v2;
	v5 =	vld.idx.msk [tilespmem:v2+s12+$0x0], $0xffff  }
0x7a: {  	v7 =	vor.u32 $0x300, v2;
	v0 =	vld.idx.msk [tilespmem:v0+s12+$0x0], $0xffff  }
0x7b: {  	v8 =	vor.u32 $0x380, v2;
	v1 =	vld.idx.msk [tilespmem:v1+s12+$0x0], $0xffff  }
0x7c: {  	v3 =	vld.idx.msk [tilespmem:v3+s12+$0x0], $0xffff  }
0x7d: {  	v4 =	vld.idx.msk [tilespmem:v4+s12+$0x0], $0xffff  }
0x7e: {  	v6 =	vld.idx.msk [tilespmem:v6+s12+$0x0], $0xffff  }
0x7f: {  	v7 =	vld.idx.msk [tilespmem:v7+s12+$0x0], $0xffff  }
0x80: {  	v8 =	vld.idx.msk [tilespmem:v8+s12+$0x0], $0xffff;
	[tilespmem:$0xC400] =	vst v5  }
0x81: {  	[tilespmem:$0xC480] =	vst v0  }
0x82: {  	[tilespmem:$0xC500] =	vst v1  }
0x83: {  	[tilespmem:$0xC580] =	vst v3;
	v0 =	vadd.s32 $0x2000, v2  }
0x84: {  	[tilespmem:$0xC600] =	vst v4;
	v1 =	vadd.s32 $0x2080, v2  }
0x85: {  	[tilespmem:$0xC680] =	vst v6;
	v3 =	vadd.s32 $0x2100, v2  }
0x86: {  	[tilespmem:$0xC700] =	vst v7;
	v4 =	vadd.s32 $0x2180, v2  }
0x87: {  	[tilespmem:$0xC780] =	vst v8;
	v6 =	vadd.s32 $0x2200, v2  }
0x88: {  	v8 =	vadd.s32 $0x2280, v2;
	v0 =	vld.idx.msk [tilespmem:v0+s12+$0x0], $0xffff  }
0x89: {  	v9 =	vadd.s32 $0x2300, v2;
	v1 =	vld.idx.msk [tilespmem:v1+s12+$0x0], $0xffff  }
0x8a: {  	v2 =	vadd.s32 $0x2380, v2;
	v5 =	vld.idx.msk [tilespmem:v3+s12+$0x0], $0xffff  }
0x8b: {  	v7 =	vld.idx.msk [tilespmem:v4+s12+$0x0], $0xffff  }
0x8c: {  	v6 =	vld.idx.msk [tilespmem:v6+s12+$0x0], $0xffff  }
0x8d: {  	v4 =	vld.idx.msk [tilespmem:v8+s12+$0x0], $0xffff  }
0x8e: {  	v3 =	vld.idx.msk [tilespmem:v9+s12+$0x0], $0xffff  }
0x8f: {  	s24 =	simm.s32 $0x80;
	s25 =	simm.s32 $0x10;
	s23 =	simm.s32 $0x10;
	v2 =	vld.idx.msk [tilespmem:v2+s12+$0x0], $0xffff  }
.LBB2_5:
0x90: {  	v8 =	vld [tilespmem:s23+$0x0];
	_ =	sdelay $0x4  }
0x91: {  	v9 =	vshll.u32 v8, $0x3  }
0x92: {  	v8 =	vand.u32 $0x7F, v8;
	v9 =	vand.u32 $0xFFFFFC00, v9  }
0x93: {  	v8 =	vor.u32 v8, v9  }
0x94: {  	v9 =	vor.u32 $0x80, v8  }
0x95: {  	v10 =	vor.u32 $0x100, v8  }
0x96: {  	v11 =	vor.u32 $0x180, v8  }
0x97: {  	v12 =	vor.u32 $0x200, v8  }
0x98: {  	v14 =	vor.u32 $0x280, v8;
	v13 =	vld.idx.msk [tilespmem:v8+s12+$0x0], $0xffff  }
0x99: {  	v15 =	vor.u32 $0x300, v8;
	v9 =	vld.idx.msk [tilespmem:v9+s12+$0x0], $0xffff  }
0x9a: {  	v16 =	vor.u32 $0x380, v8;
	v10 =	vld.idx.msk [tilespmem:v10+s12+$0x0], $0xffff  }
0x9b: {  	v11 =	vld.idx.msk [tilespmem:v11+s12+$0x0], $0xffff  }
0x9c: {  	s26 =	sadd.s32 $0xFFFFFFF0, s25;
	s28 =	sadd.s32 $0xFFFFFF80, s24;
	v12 =	vld.idx.msk [tilespmem:v12+s12+$0x0], $0xffff  }
0x9d: {  	s26 =	sand.u32 $0x70, s26;
	s28 =	sand.u32 $0xFFFFFC00, s28;
	v14 =	vld.idx.msk [tilespmem:v14+s12+$0x0], $0xffff  }
0x9e: {  	s26 =	sor.u32 s26, s28;
	v15 =	vld.idx.msk [tilespmem:v15+s12+$0x0], $0xffff  }
0x9f: {  	v16 =	vld.idx.msk [tilespmem:v16+s12+$0x0], $0xffff;
	[tilespmem:s26+$0xE400] =	vst v0  }
0xa0: {  	[tilespmem:s26+$0xE480] =	vst v1  }
0xa1: {  	[tilespmem:s26+$0xE500] =	vst v5  }
0xa2: {  	[tilespmem:s26+$0xE580] =	vst v7;
	v0 =	vadd.s32 $0x2000, v8  }
0xa3: {  	[tilespmem:s26+$0xE600] =	vst v6;
	v1 =	vadd.s32 $0x2080, v8  }
0xa4: {  	[tilespmem:s26+$0xE680] =	vst v4;
	v4 =	vadd.s32 $0x2100, v8  }
0xa5: {  	[tilespmem:s26+$0xE700] =	vst v3;
	v3 =	vadd.s32 $0x2180, v8  }
0xa6: {  	[tilespmem:s26+$0xE780] =	vst v2;
	v2 =	vadd.s32 $0x2200, v8  }
0xa7: {  	v17 =	vadd.s32 $0x2280, v8;
	v0 =	vld.idx.msk [tilespmem:v0+s12+$0x0], $0xffff  }
0xa8: {  	v18 =	vadd.s32 $0x2300, v8;
	v1 =	vld.idx.msk [tilespmem:v1+s12+$0x0], $0xffff  }
0xa9: {  	v8 =	vadd.s32 $0x2380, v8;
	v5 =	vld.idx.msk [tilespmem:v4+s12+$0x0], $0xffff  }
0xaa: {  	v7 =	vld.idx.msk [tilespmem:v3+s12+$0x0], $0xffff  }
0xab: {  	v6 =	vld.idx.msk [tilespmem:v2+s12+$0x0], $0xffff  }
0xac: {  	s31 =	sand.u32 $0x70, s25;
	s29 =	sand.u32 $0x1C00, s24;
	v4 =	vld.idx.msk [tilespmem:v17+s12+$0x0], $0xffff  }
0xad: {  	s26 =	sor.u32 s31, s29;
	v3 =	vld.idx.msk [tilespmem:v18+s12+$0x0], $0xffff  }
0xae: {  	v2 =	vld.idx.msk [tilespmem:v8+s12+$0x0], $0xffff;
	[tilespmem:s26+$0xC400] =	vst v13  }
0xaf: {  	[tilespmem:s26+$0xC480] =	vst v9  }
0xb0: {  	p0 =	sne.s32 s25, $0x3F0;
	[tilespmem:s26+$0xC500] =	vst v10  }
.Ltmp1:
0xb1: {  	[tilespmem:s26+$0xC580] =	vst v11;
	(pc) =	sbr.rel @p0 .LBB2_5-.Ltmp1, $4  }
0xb2: {  	[tilespmem:s26+$0xC600] =	vst v12  }
0xb3: {  	s30 =	sor.u32 s24, s25;
	[tilespmem:s26+$0xC680] =	vst v14  }
0xb4: {  	s31 =	sor.u32 $0x380, s30;
	[tilespmem:s26+$0xC700] =	vst v15  }
0xb5: {  	s24 =	sadd.s32 $0x80, s24;
	s23 =	sadd.s32 $0x10, s23;
	s25 =	sadd.s32 $0x10, s25;
	[tilespmem:s31+$0xC400] =	vst v16  }
0xb6: {  	[tilespmem:$0x10070] =	vst v0  }
0xb7: {  	[tilespmem:$0x100F0] =	vst v1  }
0xb8: {  	[tilespmem:$0x10170] =	vst v5  }
0xb9: {  	[tilespmem:$0x101F0] =	vst v7  }
0xba: {  	[tilespmem:$0x10270] =	vst v6;
	s21 =	sadd.s32 $0x1, s21  }
0xbb: {  	[tilespmem:$0x102F0] =	vst v4;
	p0 =	sne.s32 s21, $0x10  }
.Ltmp2:
0xbc: {  	[tilespmem:$0x10370] =	vst v3;
	(pc) =	sbr.rel @p0 .LBB2_2-.Ltmp2, $4  }
0xbd: {  	[tilespmem:$0x103F0] =	vst v2;
	s23 =	sadd.s32 @!p1 s22, s8;
	s24 =	simm.s32 @!p1 $0x0;
	s25 =	simm.s32 @!p1 $0x4400  }
0xbe: {  	[tilespmem:s25], [sflag:$0x2] =	stream.linear.gather @!p1 [hbm4b:s23+s24], $0x4000, $0x38;
	[tilespmem:$0x10400] =	vst v63  }
0xbf: {  	s31 =	sadd.s32 s10, s22  }
0xc0: {  	[hbm4b:s31+s3] =	stream.linear.scatter [tilespmem:s17], [sflag:$0x4], $0x4000, $0x38;
	[tilespmem:$0x10400] =	vst v63  }
0xc1: {  	s20 =	sadd.s32 $0x1, s20  }
0xc2: {  	_ =	swait.ge [sflag:s18], $0x4000;
	p0 =	sne.s32 s20, s9  }
.Ltmp3:
0xc3: {  	[sflag:s18] =	ssyncset.done $0x0;
	(pc) =	sbr.rel @p0 .LBB2_1-.Ltmp3, $4  }
0xc4: {  	[sflag:s18] =	ssyncadd.s32 $0xFFFFC000  }
0xc5: {  	_ =	swait.ge [sflag:s19], $0x4000  }
0xc6: {  	[sflag:s19] =	ssyncset.done $0x0  }
0xc7: {  	[sflag:s19] =	ssyncadd.s32 $0xFFFFC000  }
0xc8: {  	_ =	sfence.sel $0x180000  }
0xc9: {  	[bflag:$0x0] =	sbarrier.arrive $0xFFFF  }
0xca: {  	p0 =	sne.s32 s1, $0x0;
	_ =	strace $0x90000047  }
0xcb: {  	s0 =	sadd.s32 @!p0 $0x100000, s0;
	[bflag:$0x2] =	sbarrier.arrive $0xFFFF  }
0xcc: {  	[sflag:s0] =	ssyncadd.tile.s32 @!p0 $0x1;
	_ =	shalt  }
.Lfunc_end2:
_tile_overlayer_lowered:
.L_overlay_start_2:
0xcd: {  	(tag) =	ssettag $0x2  }
0xce: {  	s0 =	rddreg [dreg:$0x0];
	s2 =	stileid.u32  }
0xcf: {  	s1 =	rddreg [dreg:$0x1];
	p0 =	sne.s32 s2, $0x0  }
0xd0: {  	s3 =	rddreg [dreg:$0x2];
	[bflag:$0x3] =	sbarrier.arrive $0xFFFF;
	s2 =	simm.s32 @!p0 $0x1C05  }
0xd1: {  	[timem:s3], [sflag:s2] =	dma.local @!p0 [hbm:s0], s1  }
0xd2: {  	s0 =	simm.s32 @!p0 $0x5  }
0xd3: {  	_ =	swait.ge @!p0 [sflag:s0], s1  }
0xd4: {  	s1 =	ssub.s32 @!p0 $0x0, s1;
	[sflag:s0] =	ssyncset.done @!p0 $0x0  }
0xd5: {  	[sflag:s0] =	ssyncadd.s32 @!p0 s1  }
0xd6: {  	[bflag:$0x3] =	sbarrier.arrive $0xFFFF  }
0xd7: {  	_ =	shalt  }

</sc_bundles>
